<compile_context>
chip_gen: v7x
topology: tpu7x:2x2x1
jax: 0.10.2.dev20260603
libtpu: 0.0.44.dev20260713+nightly
codegen_flags: <defaults>
</compile_context>

<pallas_src>
import functools

import jax
import jax.numpy as jnp
import numpy as np
from jax import lax
from jax.experimental import pallas as pl
from jax.experimental.pallas import tpu as pltpu
from jax.experimental.pallas import tpu_sc as plsc

N = 320000
D = 128
S = 10000
SP = 10112

NC = 2
NS = 16
HC = D // NC
ROWS_PER_T = N // NS
K = 200
NCHUNK = ROWS_PER_T // K
S_PER_TILE = SP // NS
S_LAST = S - (NS - 1) * S_PER_TILE

NB = 5
NGRP = NCHUNK // NB


def _sc_body(x_hbm, ids_hbm, zeros_hbm, out_hbm, acc,
             xbufs, ibufs, semls, semss):
    c = lax.axis_index("c")
    s = lax.axis_index("s")
    row0 = s * ROWS_PER_T
    seg0 = s * S_PER_TILE
    col0 = c * HC

    def start_load(i, b):
        base = row0 + i * K
        pltpu.async_copy(x_hbm.at[pl.ds(base, K), pl.ds(col0, HC)],
                         xbufs[b], semls[b])
        pltpu.async_copy(ids_hbm.at[pl.ds(base, K)], ibufs[b], semls[b])

    def wait_load(b):
        pltpu.make_async_copy(x_hbm.at[pl.ds(0, K), pl.ds(0, HC)],
                              xbufs[b], semls[b]).wait()
        pltpu.make_async_copy(ids_hbm.at[pl.ds(0, K)], ibufs[b],
                              semls[b]).wait()

    def start_scatter(b):
        pltpu.async_copy(xbufs[b], acc.at[ibufs[b]], semss[b], add=True)

    def wait_scatter(b):
        pltpu.make_async_copy(xbufs[b], acc.at[ibufs[b]], semss[b]).wait()

    for b in range(NB):
        start_load(b, b)
    pltpu.sync_copy(zeros_hbm.at[pl.ds(seg0, S_PER_TILE)],
                    acc.at[pl.ds(seg0, S_PER_TILE)])
    plsc.subcore_barrier()

    def body(g, carry):
        for b in range(NB):
            wait_load(b)
            start_scatter(b)
        for b in range(NB):
            wait_scatter(b)
            start_load((g + 1) * NB + b, b)
        return carry

    lax.fori_loop(0, NGRP - 1, body, 0)
    for b in range(NB):
        wait_load(b)
        start_scatter(b)
    for b in range(NB):
        wait_scatter(b)
    plsc.subcore_barrier()

    @pl.when(s < NS - 1)
    def _():
        pltpu.sync_copy(acc.at[pl.ds(seg0, S_PER_TILE)],
                        out_hbm.at[pl.ds(seg0, S_PER_TILE), pl.ds(col0, HC)])

    @pl.when(s == NS - 1)
    def _():
        pltpu.sync_copy(acc.at[pl.ds(seg0, S_LAST)],
                        out_hbm.at[pl.ds(seg0, S_LAST), pl.ds(col0, HC)])


_sc_pool = functools.partial(
    pl.kernel,
    mesh=plsc.VectorSubcoreMesh(core_axis_name="c", subcore_axis_name="s"),
    out_type=jax.ShapeDtypeStruct((S, D), jnp.float32),
    compiler_params=pltpu.CompilerParams(use_tc_tiling_on_sc=False),
    scratch_types=[
        pltpu.VMEM_SHARED((SP, HC), jnp.float32),
        [pltpu.VMEM((K, HC), jnp.float32)] * NB,
        [pltpu.VMEM((K,), jnp.int32)] * NB,
        [pltpu.SemaphoreType.DMA] * NB,
        [pltpu.SemaphoreType.DMA] * NB,
    ],
)(_sc_body)


_ZEROS = np.zeros((SP, HC), np.float32)


def kernel(x, edge_list):
    ids = edge_list.astype(jnp.int32)
    return _sc_pool(x, ids, _ZEROS)

# --- scband reference (transcript-rebuilt; emitter-appended) ---
"""Pipeline reference for scband-global-add-pool-5918464934485 (READ-ONLY COPY).

The authoritative reference and input builder live on the scoring server;
editing this copy changes nothing except your own understanding.
"""

import jax, jax.numpy as jnp
import numpy as np

N_NODES = 10000
N = 320000
D = 128

def setup_inputs(seed: int = 0) -> dict:
    key = jax.random.key(seed)
    k1, k2 = jax.random.split(key)
    x = jax.random.normal(k1, (N, D), dtype=jnp.float32)
    edge_list = jnp.sort(jax.random.randint(k2, (N,), 0, N_NODES, dtype=jnp.int64))
    return {"x": x, "edge_list": edge_list}

def reference(x, edge_list):
    # global_add_pool: sum rows of x grouped by segment id (scatter-add)
    out = jax.ops.segment_sum(x, edge_list, num_segments=N_NODES)
    return out

if __name__ == "__main__":
    import jax
    _d = setup_inputs()
    print(jax.jit(kernel)(*tuple(_d.values())))

</pallas_src>

<mosaic_0001>
#map = affine_map<(d0, d1) -> (0, 0)>
#map1 = affine_map<(d0, d1) -> (0)>
module attributes {stable_mosaic.version = 14 : i64} {
  func.func @_sc_body(%arg0: i32, %arg1: i32, %arg2: memref<320000x128xf32, #tpu.memory_space<hbm>>, %arg3: memref<320000xi32, #tpu.memory_space<hbm>>, %arg4: memref<10112x64xf32, #tpu.memory_space<hbm>>, %arg5: memref<10000x128xf32, #tpu.memory_space<hbm>>, %arg6: memref<10112x64xf32, #tpu.memory_space<vmem_shared>>, %arg7: memref<200x64xf32, #tpu.memory_space<vmem>>, %arg8: memref<200x64xf32, #tpu.memory_space<vmem>>, %arg9: memref<200x64xf32, #tpu.memory_space<vmem>>, %arg10: memref<200x64xf32, #tpu.memory_space<vmem>>, %arg11: memref<200x64xf32, #tpu.memory_space<vmem>>, %arg12: memref<200xi32, #tpu.memory_space<vmem>>, %arg13: memref<200xi32, #tpu.memory_space<vmem>>, %arg14: memref<200xi32, #tpu.memory_space<vmem>>, %arg15: memref<200xi32, #tpu.memory_space<vmem>>, %arg16: memref<200xi32, #tpu.memory_space<vmem>>, %arg17: memref<!tpu.dma_semaphore, #tpu.memory_space<semaphore_mem>>, %arg18: memref<!tpu.dma_semaphore, #tpu.memory_space<semaphore_mem>>, %arg19: memref<!tpu.dma_semaphore, #tpu.memory_space<semaphore_mem>>, %arg20: memref<!tpu.dma_semaphore, #tpu.memory_space<semaphore_mem>>, %arg21: memref<!tpu.dma_semaphore, #tpu.memory_space<semaphore_mem>>, %arg22: memref<!tpu.dma_semaphore, #tpu.memory_space<semaphore_mem>>, %arg23: memref<!tpu.dma_semaphore, #tpu.memory_space<semaphore_mem>>, %arg24: memref<!tpu.dma_semaphore, #tpu.memory_space<semaphore_mem>>, %arg25: memref<!tpu.dma_semaphore, #tpu.memory_space<semaphore_mem>>, %arg26: memref<!tpu.dma_semaphore, #tpu.memory_space<semaphore_mem>>) attributes {dimension_semantics = [#tpu.dimension_semantics<core_parallel>, #tpu.dimension_semantics<subcore_parallel>], iteration_bounds = array<i64: 2, 16>, scalar_prefetch = 0 : i64, scratch_operands = 21 : i64, tpu.core_type = #tpu.core_type<sc_vector_subcore>, window_params = [{transform_indices = #map}, {transform_indices = #map1}, {transform_indices = #map}, {transform_indices = #map}]} {
    %mul3A = arith.constant 20000 : i32
    %mul3A_0 = arith.muli %arg1, %mul3A : i32
    %mul3A_1 = arith.constant 632 : i32
    %mul3A_2 = arith.muli %arg1, %mul3A_1 : i32
    %mul3A_3 = arith.constant 64 : i32
    %mul3A_4 = arith.muli %arg0, %mul3A_3 : i32
    %add3A = arith.constant 0 : i32
    %add3A_5 = arith.addi %mul3A_0, %add3A : i32
    %dma_start3A = tpu.memref_slice %arg2[%add3A_5, %mul3A_4] : memref<320000x128xf32, #tpu.memory_space<hbm>> -> memref<200x64xf32, #tpu.memory_space<hbm>>
    %dma_start3A_6 = tpu.memref_slice %arg2[%add3A_5, %mul3A_4] : memref<320000x128xf32, #tpu.memory_space<hbm>> -> memref<200x64xf32, #tpu.memory_space<hbm>>
    tpu.enqueue_dma source(%dma_start3A_6 : memref<200x64xf32, #tpu.memory_space<hbm>>) target(%arg7 : memref<200x64xf32, #tpu.memory_space<vmem>>) target_semaphore(%arg17 : memref<!tpu.dma_semaphore, #tpu.memory_space<semaphore_mem>>)
    %dma_start3A_7 = tpu.memref_slice %arg3[%add3A_5] : memref<320000xi32, #tpu.memory_space<hbm>> -> memref<200xi32, #tpu.memory_space<hbm>>
    %dma_start3A_8 = tpu.memref_slice %arg3[%add3A_5] : memref<320000xi32, #tpu.memory_space<hbm>> -> memref<200xi32, #tpu.memory_space<hbm>>
    tpu.enqueue_dma source(%dma_start3A_8 : memref<200xi32, #tpu.memory_space<hbm>>) target(%arg12 : memref<200xi32, #tpu.memory_space<vmem>>) target_semaphore(%arg17 : memref<!tpu.dma_semaphore, #tpu.memory_space<semaphore_mem>>)
    %add3A_9 = arith.constant 200 : i32
    %add3A_10 = arith.addi %mul3A_0, %add3A_9 : i32
    %dma_start3A_11 = tpu.memref_slice %arg2[%add3A_10, %mul3A_4] : memref<320000x128xf32, #tpu.memory_space<hbm>> -> memref<200x64xf32, #tpu.memory_space<hbm>>
    %dma_start3A_12 = tpu.memref_slice %arg2[%add3A_10, %mul3A_4] : memref<320000x128xf32, #tpu.memory_space<hbm>> -> memref<200x64xf32, #tpu.memory_space<hbm>>
    tpu.enqueue_dma source(%dma_start3A_12 : memref<200x64xf32, #tpu.memory_space<hbm>>) target(%arg8 : memref<200x64xf32, #tpu.memory_space<vmem>>) target_semaphore(%arg18 : memref<!tpu.dma_semaphore, #tpu.memory_space<semaphore_mem>>)
    %dma_start3A_13 = tpu.memref_slice %arg3[%add3A_10] : memref<320000xi32, #tpu.memory_space<hbm>> -> memref<200xi32, #tpu.memory_space<hbm>>
    %dma_start3A_14 = tpu.memref_slice %arg3[%add3A_10] : memref<320000xi32, #tpu.memory_space<hbm>> -> memref<200xi32, #tpu.memory_space<hbm>>
    tpu.enqueue_dma source(%dma_start3A_14 : memref<200xi32, #tpu.memory_space<hbm>>) target(%arg13 : memref<200xi32, #tpu.memory_space<vmem>>) target_semaphore(%arg18 : memref<!tpu.dma_semaphore, #tpu.memory_space<semaphore_mem>>)
    %add3A_15 = arith.constant 400 : i32
    %add3A_16 = arith.addi %mul3A_0, %add3A_15 : i32
    %dma_start3A_17 = tpu.memref_slice %arg2[%add3A_16, %mul3A_4] : memref<320000x128xf32, #tpu.memory_space<hbm>> -> memref<200x64xf32, #tpu.memory_space<hbm>>
    %dma_start3A_18 = tpu.memref_slice %arg2[%add3A_16, %mul3A_4] : memref<320000x128xf32, #tpu.memory_space<hbm>> -> memref<200x64xf32, #tpu.memory_space<hbm>>
    tpu.enqueue_dma source(%dma_start3A_18 : memref<200x64xf32, #tpu.memory_space<hbm>>) target(%arg9 : memref<200x64xf32, #tpu.memory_space<vmem>>) target_semaphore(%arg19 : memref<!tpu.dma_semaphore, #tpu.memory_space<semaphore_mem>>)
    %dma_start3A_19 = tpu.memref_slice %arg3[%add3A_16] : memref<320000xi32, #tpu.memory_space<hbm>> -> memref<200xi32, #tpu.memory_space<hbm>>
    %dma_start3A_20 = tpu.memref_slice %arg3[%add3A_16] : memref<320000xi32, #tpu.memory_space<hbm>> -> memref<200xi32, #tpu.memory_space<hbm>>
    tpu.enqueue_dma source(%dma_start3A_20 : memref<200xi32, #tpu.memory_space<hbm>>) target(%arg14 : memref<200xi32, #tpu.memory_space<vmem>>) target_semaphore(%arg19 : memref<!tpu.dma_semaphore, #tpu.memory_space<semaphore_mem>>)
    %add3A_21 = arith.constant 600 : i32
    %add3A_22 = arith.addi %mul3A_0, %add3A_21 : i32
    %dma_start3A_23 = tpu.memref_slice %arg2[%add3A_22, %mul3A_4] : memref<320000x128xf32, #tpu.memory_space<hbm>> -> memref<200x64xf32, #tpu.memory_space<hbm>>
    %dma_start3A_24 = tpu.memref_slice %arg2[%add3A_22, %mul3A_4] : memref<320000x128xf32, #tpu.memory_space<hbm>> -> memref<200x64xf32, #tpu.memory_space<hbm>>
    tpu.enqueue_dma source(%dma_start3A_24 : memref<200x64xf32, #tpu.memory_space<hbm>>) target(%arg10 : memref<200x64xf32, #tpu.memory_space<vmem>>) target_semaphore(%arg20 : memref<!tpu.dma_semaphore, #tpu.memory_space<semaphore_mem>>)
    %dma_start3A_25 = tpu.memref_slice %arg3[%add3A_22] : memref<320000xi32, #tpu.memory_space<hbm>> -> memref<200xi32, #tpu.memory_space<hbm>>
    %dma_start3A_26 = tpu.memref_slice %arg3[%add3A_22] : memref<320000xi32, #tpu.memory_space<hbm>> -> memref<200xi32, #tpu.memory_space<hbm>>
    tpu.enqueue_dma source(%dma_start3A_26 : memref<200xi32, #tpu.memory_space<hbm>>) target(%arg15 : memref<200xi32, #tpu.memory_space<vmem>>) target_semaphore(%arg20 : memref<!tpu.dma_semaphore, #tpu.memory_space<semaphore_mem>>)
    %add3A_27 = arith.constant 800 : i32
    %add3A_28 = arith.addi %mul3A_0, %add3A_27 : i32
    %dma_start3A_29 = tpu.memref_slice %arg2[%add3A_28, %mul3A_4] : memref<320000x128xf32, #tpu.memory_space<hbm>> -> memref<200x64xf32, #tpu.memory_space<hbm>>
    %dma_start3A_30 = tpu.memref_slice %arg2[%add3A_28, %mul3A_4] : memref<320000x128xf32, #tpu.memory_space<hbm>> -> memref<200x64xf32, #tpu.memory_space<hbm>>
    tpu.enqueue_dma source(%dma_start3A_30 : memref<200x64xf32, #tpu.memory_space<hbm>>) target(%arg11 : memref<200x64xf32, #tpu.memory_space<vmem>>) target_semaphore(%arg21 : memref<!tpu.dma_semaphore, #tpu.memory_space<semaphore_mem>>)
    %dma_start3A_31 = tpu.memref_slice %arg3[%add3A_28] : memref<320000xi32, #tpu.memory_space<hbm>> -> memref<200xi32, #tpu.memory_space<hbm>>
    %dma_start3A_32 = tpu.memref_slice %arg3[%add3A_28] : memref<320000xi32, #tpu.memory_space<hbm>> -> memref<200xi32, #tpu.memory_space<hbm>>
    tpu.enqueue_dma source(%dma_start3A_32 : memref<200xi32, #tpu.memory_space<hbm>>) target(%arg16 : memref<200xi32, #tpu.memory_space<vmem>>) target_semaphore(%arg21 : memref<!tpu.dma_semaphore, #tpu.memory_space<semaphore_mem>>)
    "tpu.region"() ({
      %run_scoped3A = tpu.sem_alloc : memref<!tpu.dma_semaphore, #tpu.memory_space<semaphore_mem>>
      %dma_start3A_124 = arith.constant 0 : i32
      %dma_start3A_125 = tpu.memref_slice %arg6[%mul3A_2, %dma_start3A_124] : memref<10112x64xf32, #tpu.memory_space<vmem_shared>> -> memref<632x64xf32, #tpu.memory_space<vmem_shared>>
      %dma_start3A_126 = arith.constant 0 : i32
      %dma_start3A_127 = tpu.memref_slice %arg4[%mul3A_2, %dma_start3A_126] : memref<10112x64xf32, #tpu.memory_space<hbm>> -> memref<632x64xf32, #tpu.memory_space<hbm>>
      tpu.enqueue_dma source(%dma_start3A_127 : memref<632x64xf32, #tpu.memory_space<hbm>>) target(%dma_start3A_125 : memref<632x64xf32, #tpu.memory_space<vmem_shared>>) target_semaphore(%run_scoped3A : memref<!tpu.dma_semaphore, #tpu.memory_space<semaphore_mem>>)
      %dma_wait3A_128 = arith.constant 0 : i32
      %dma_wait3A_129 = tpu.memref_slice %arg6[%mul3A_2, %dma_wait3A_128] : memref<10112x64xf32, #tpu.memory_space<vmem_shared>> -> memref<632x64xf32, #tpu.memory_space<vmem_shared>>
      %dma_wait3A_130 = arith.constant 0 : i32
      %dma_wait3A_131 = tpu.memref_slice %arg4[%mul3A_2, %dma_wait3A_130] : memref<10112x64xf32, #tpu.memory_space<hbm>> -> memref<632x64xf32, #tpu.memory_space<hbm>>
      tpu.wait_dma2 semaphore(%run_scoped3A : memref<!tpu.dma_semaphore, #tpu.memory_space<semaphore_mem>>) src(%dma_wait3A_131 : memref<632x64xf32, #tpu.memory_space<hbm>>) dst(%dma_wait3A_129 : memref<632x64xf32, #tpu.memory_space<vmem_shared>>)
      tpu.yield
    }) : () -> ()
    %barrier3A = arith.constant 0 : index
    tpu.barrier barrier_id(%barrier3A)
    %scan3A = arith.constant 0 : i32
    %scan3A_33 = arith.constant 0 : i32
    %scan3A_34 = arith.constant 19 : i32
    %scan3A_35 = arith.addi %scan3A_33, %scan3A_34 : i32
    %scan3A_36 = arith.constant 1 : i32
    scf.for %scan3A_124 = %scan3A_33 to %scan3A_35 step %scan3A_36  : i32 {
      %dma_wait3A_125 = arith.constant 0 : i32
      %dma_wait3A_126 = arith.constant 0 : i32
      %dma_wait3A_127 = tpu.memref_slice %arg2[%dma_wait3A_125, %dma_wait3A_126] : memref<320000x128xf32, #tpu.memory_space<hbm>> -> memref<200x64xf32, #tpu.memory_space<hbm>>
      %dma_wait3A_128 = arith.constant 0 : i32
      %dma_wait3A_129 = arith.constant 0 : i32
      %dma_wait3A_130 = tpu.memref_slice %arg2[%dma_wait3A_128, %dma_wait3A_129] : memref<320000x128xf32, #tpu.memory_space<hbm>> -> memref<200x64xf32, #tpu.memory_space<hbm>>
      tpu.wait_dma2 semaphore(%arg17 : memref<!tpu.dma_semaphore, #tpu.memory_space<semaphore_mem>>) src(%dma_wait3A_130 : memref<200x64xf32, #tpu.memory_space<hbm>>) dst(%arg7 : memref<200x64xf32, #tpu.memory_space<vmem>>)
      %dma_wait3A_131 = arith.constant 0 : i32
      %dma_wait3A_132 = tpu.memref_slice %arg3[%dma_wait3A_131] : memref<320000xi32, #tpu.memory_space<hbm>> -> memref<200xi32, #tpu.memory_space<hbm>>
      %dma_wait3A_133 = arith.constant 0 : i32
      %dma_wait3A_134 = tpu.memref_slice %arg3[%dma_wait3A_133] : memref<320000xi32, #tpu.memory_space<hbm>> -> memref<200xi32, #tpu.memory_space<hbm>>
      tpu.wait_dma2 semaphore(%arg17 : memref<!tpu.dma_semaphore, #tpu.memory_space<semaphore_mem>>) src(%dma_wait3A_134 : memref<200xi32, #tpu.memory_space<hbm>>) dst(%arg12 : memref<200xi32, #tpu.memory_space<vmem>>)
      %dma_start3A_135 = arith.constant 0 : i32
      %dma_start3A_136 = arith.constant 0 : i32
      %dma_start3A_137 = tpu.memref_slice %arg6[%dma_start3A_135, %dma_start3A_136] : memref<10112x64xf32, #tpu.memory_space<vmem_shared>> -> memref<10112x64xf32, #tpu.memory_space<vmem_shared>>
      tpu.enqueue_indirect_dma source(%arg7 : memref<200x64xf32, #tpu.memory_space<vmem>>) target(%dma_start3A_137 : memref<10112x64xf32, #tpu.memory_space<vmem_shared>>) offsets(%arg12 : memref<200xi32, #tpu.memory_space<vmem>>) semaphore(%arg22 : memref<!tpu.dma_semaphore, #tpu.memory_space<semaphore_mem>>) {add = true}
      %dma_wait3A_138 = arith.constant 0 : i32
      %dma_wait3A_139 = arith.constant 0 : i32
      %dma_wait3A_140 = tpu.memref_slice %arg2[%dma_wait3A_138, %dma_wait3A_139] : memref<320000x128xf32, #tpu.memory_space<hbm>> -> memref<200x64xf32, #tpu.memory_space<hbm>>
      %dma_wait3A_141 = arith.constant 0 : i32
      %dma_wait3A_142 = arith.constant 0 : i32
      %dma_wait3A_143 = tpu.memref_slice %arg2[%dma_wait3A_141, %dma_wait3A_142] : memref<320000x128xf32, #tpu.memory_space<hbm>> -> memref<200x64xf32, #tpu.memory_space<hbm>>
      tpu.wait_dma2 semaphore(%arg18 : memref<!tpu.dma_semaphore, #tpu.memory_space<semaphore_mem>>) src(%dma_wait3A_143 : memref<200x64xf32, #tpu.memory_space<hbm>>) dst(%arg8 : memref<200x64xf32, #tpu.memory_space<vmem>>)
      %dma_wait3A_144 = arith.constant 0 : i32
      %dma_wait3A_145 = tpu.memref_slice %arg3[%dma_wait3A_144] : memref<320000xi32, #tpu.memory_space<hbm>> -> memref<200xi32, #tpu.memory_space<hbm>>
      %dma_wait3A_146 = arith.constant 0 : i32
      %dma_wait3A_147 = tpu.memref_slice %arg3[%dma_wait3A_146] : memref<320000xi32, #tpu.memory_space<hbm>> -> memref<200xi32, #tpu.memory_space<hbm>>
      tpu.wait_dma2 semaphore(%arg18 : memref<!tpu.dma_semaphore, #tpu.memory_space<semaphore_mem>>) src(%dma_wait3A_147 : memref<200xi32, #tpu.memory_space<hbm>>) dst(%arg13 : memref<200xi32, #tpu.memory_space<vmem>>)
      %dma_start3A_148 = arith.constant 0 : i32
      %dma_start3A_149 = arith.constant 0 : i32
      %dma_start3A_150 = tpu.memref_slice %arg6[%dma_start3A_148, %dma_start3A_149] : memref<10112x64xf32, #tpu.memory_space<vmem_shared>> -> memref<10112x64xf32, #tpu.memory_space<vmem_shared>>
      tpu.enqueue_indirect_dma source(%arg8 : memref<200x64xf32, #tpu.memory_space<vmem>>) target(%dma_start3A_150 : memref<10112x64xf32, #tpu.memory_space<vmem_shared>>) offsets(%arg13 : memref<200xi32, #tpu.memory_space<vmem>>) semaphore(%arg23 : memref<!tpu.dma_semaphore, #tpu.memory_space<semaphore_mem>>) {add = true}
      %dma_wait3A_151 = arith.constant 0 : i32
      %dma_wait3A_152 = arith.constant 0 : i32
      %dma_wait3A_153 = tpu.memref_slice %arg2[%dma_wait3A_151, %dma_wait3A_152] : memref<320000x128xf32, #tpu.memory_space<hbm>> -> memref<200x64xf32, #tpu.memory_space<hbm>>
      %dma_wait3A_154 = arith.constant 0 : i32
      %dma_wait3A_155 = arith.constant 0 : i32
      %dma_wait3A_156 = tpu.memref_slice %arg2[%dma_wait3A_154, %dma_wait3A_155] : memref<320000x128xf32, #tpu.memory_space<hbm>> -> memref<200x64xf32, #tpu.memory_space<hbm>>
      tpu.wait_dma2 semaphore(%arg19 : memref<!tpu.dma_semaphore, #tpu.memory_space<semaphore_mem>>) src(%dma_wait3A_156 : memref<200x64xf32, #tpu.memory_space<hbm>>) dst(%arg9 : memref<200x64xf32, #tpu.memory_space<vmem>>)
      %dma_wait3A_157 = arith.constant 0 : i32
      %dma_wait3A_158 = tpu.memref_slice %arg3[%dma_wait3A_157] : memref<320000xi32, #tpu.memory_space<hbm>> -> memref<200xi32, #tpu.memory_space<hbm>>
      %dma_wait3A_159 = arith.constant 0 : i32
      %dma_wait3A_160 = tpu.memref_slice %arg3[%dma_wait3A_159] : memref<320000xi32, #tpu.memory_space<hbm>> -> memref<200xi32, #tpu.memory_space<hbm>>
      tpu.wait_dma2 semaphore(%arg19 : memref<!tpu.dma_semaphore, #tpu.memory_space<semaphore_mem>>) src(%dma_wait3A_160 : memref<200xi32, #tpu.memory_space<hbm>>) dst(%arg14 : memref<200xi32, #tpu.memory_space<vmem>>)
      %dma_start3A_161 = arith.constant 0 : i32
      %dma_start3A_162 = arith.constant 0 : i32
      %dma_start3A_163 = tpu.memref_slice %arg6[%dma_start3A_161, %dma_start3A_162] : memref<10112x64xf32, #tpu.memory_space<vmem_shared>> -> memref<10112x64xf32, #tpu.memory_space<vmem_shared>>
      tpu.enqueue_indirect_dma source(%arg9 : memref<200x64xf32, #tpu.memory_space<vmem>>) target(%dma_start3A_163 : memref<10112x64xf32, #tpu.memory_space<vmem_shared>>) offsets(%arg14 : memref<200xi32, #tpu.memory_space<vmem>>) semaphore(%arg24 : memref<!tpu.dma_semaphore, #tpu.memory_space<semaphore_mem>>) {add = true}
      %dma_wait3A_164 = arith.constant 0 : i32
      %dma_wait3A_165 = arith.constant 0 : i32
      %dma_wait3A_166 = tpu.memref_slice %arg2[%dma_wait3A_164, %dma_wait3A_165] : memref<320000x128xf32, #tpu.memory_space<hbm>> -> memref<200x64xf32, #tpu.memory_space<hbm>>
      %dma_wait3A_167 = arith.constant 0 : i32
      %dma_wait3A_168 = arith.constant 0 : i32
      %dma_wait3A_169 = tpu.memref_slice %arg2[%dma_wait3A_167, %dma_wait3A_168] : memref<320000x128xf32, #tpu.memory_space<hbm>> -> memref<200x64xf32, #tpu.memory_space<hbm>>
      tpu.wait_dma2 semaphore(%arg20 : memref<!tpu.dma_semaphore, #tpu.memory_space<semaphore_mem>>) src(%dma_wait3A_169 : memref<200x64xf32, #tpu.memory_space<hbm>>) dst(%arg10 : memref<200x64xf32, #tpu.memory_space<vmem>>)
      %dma_wait3A_170 = arith.constant 0 : i32
      %dma_wait3A_171 = tpu.memref_slice %arg3[%dma_wait3A_170] : memref<320000xi32, #tpu.memory_space<hbm>> -> memref<200xi32, #tpu.memory_space<hbm>>
      %dma_wait3A_172 = arith.constant 0 : i32
      %dma_wait3A_173 = tpu.memref_slice %arg3[%dma_wait3A_172] : memref<320000xi32, #tpu.memory_space<hbm>> -> memref<200xi32, #tpu.memory_space<hbm>>
      tpu.wait_dma2 semaphore(%arg20 : memref<!tpu.dma_semaphore, #tpu.memory_space<semaphore_mem>>) src(%dma_wait3A_173 : memref<200xi32, #tpu.memory_space<hbm>>) dst(%arg15 : memref<200xi32, #tpu.memory_space<vmem>>)
      %dma_start3A_174 = arith.constant 0 : i32
      %dma_start3A_175 = arith.constant 0 : i32
      %dma_start3A_176 = tpu.memref_slice %arg6[%dma_start3A_174, %dma_start3A_175] : memref<10112x64xf32, #tpu.memory_space<vmem_shared>> -> memref<10112x64xf32, #tpu.memory_space<vmem_shared>>
      tpu.enqueue_indirect_dma source(%arg10 : memref<200x64xf32, #tpu.memory_space<vmem>>) target(%dma_start3A_176 : memref<10112x64xf32, #tpu.memory_space<vmem_shared>>) offsets(%arg15 : memref<200xi32, #tpu.memory_space<vmem>>) semaphore(%arg25 : memref<!tpu.dma_semaphore, #tpu.memory_space<semaphore_mem>>) {add = true}
      %dma_wait3A_177 = arith.constant 0 : i32
      %dma_wait3A_178 = arith.constant 0 : i32
      %dma_wait3A_179 = tpu.memref_slice %arg2[%dma_wait3A_177, %dma_wait3A_178] : memref<320000x128xf32, #tpu.memory_space<hbm>> -> memref<200x64xf32, #tpu.memory_space<hbm>>
      %dma_wait3A_180 = arith.constant 0 : i32
      %dma_wait3A_181 = arith.constant 0 : i32
      %dma_wait3A_182 = tpu.memref_slice %arg2[%dma_wait3A_180, %dma_wait3A_181] : memref<320000x128xf32, #tpu.memory_space<hbm>> -> memref<200x64xf32, #tpu.memory_space<hbm>>
      tpu.wait_dma2 semaphore(%arg21 : memref<!tpu.dma_semaphore, #tpu.memory_space<semaphore_mem>>) src(%dma_wait3A_182 : memref<200x64xf32, #tpu.memory_space<hbm>>) dst(%arg11 : memref<200x64xf32, #tpu.memory_space<vmem>>)
      %dma_wait3A_183 = arith.constant 0 : i32
      %dma_wait3A_184 = tpu.memref_slice %arg3[%dma_wait3A_183] : memref<320000xi32, #tpu.memory_space<hbm>> -> memref<200xi32, #tpu.memory_space<hbm>>
      %dma_wait3A_185 = arith.constant 0 : i32
      %dma_wait3A_186 = tpu.memref_slice %arg3[%dma_wait3A_185] : memref<320000xi32, #tpu.memory_space<hbm>> -> memref<200xi32, #tpu.memory_space<hbm>>
      tpu.wait_dma2 semaphore(%arg21 : memref<!tpu.dma_semaphore, #tpu.memory_space<semaphore_mem>>) src(%dma_wait3A_186 : memref<200xi32, #tpu.memory_space<hbm>>) dst(%arg16 : memref<200xi32, #tpu.memory_space<vmem>>)
      %dma_start3A_187 = arith.constant 0 : i32
      %dma_start3A_188 = arith.constant 0 : i32
      %dma_start3A_189 = tpu.memref_slice %arg6[%dma_start3A_187, %dma_start3A_188] : memref<10112x64xf32, #tpu.memory_space<vmem_shared>> -> memref<10112x64xf32, #tpu.memory_space<vmem_shared>>
      tpu.enqueue_indirect_dma source(%arg11 : memref<200x64xf32, #tpu.memory_space<vmem>>) target(%dma_start3A_189 : memref<10112x64xf32, #tpu.memory_space<vmem_shared>>) offsets(%arg16 : memref<200xi32, #tpu.memory_space<vmem>>) semaphore(%arg26 : memref<!tpu.dma_semaphore, #tpu.memory_space<semaphore_mem>>) {add = true}
      %dma_wait3A_190 = arith.constant 0 : i32
      %dma_wait3A_191 = arith.constant 0 : i32
      %dma_wait3A_192 = tpu.memref_slice %arg6[%dma_wait3A_190, %dma_wait3A_191] : memref<10112x64xf32, #tpu.memory_space<vmem_shared>> -> memref<10112x64xf32, #tpu.memory_space<vmem_shared>>
      tpu.wait_indirect_dma semaphore(%arg22 : memref<!tpu.dma_semaphore, #tpu.memory_space<semaphore_mem>>) src(%arg7 : memref<200x64xf32, #tpu.memory_space<vmem>>) dst(%dma_wait3A_192 : memref<10112x64xf32, #tpu.memory_space<vmem_shared>>)
      %add3A_193 = arith.constant 1 : i32
      %add3A_194 = arith.addi %scan3A_124, %add3A_193 : i32
      %mul3A_195 = arith.constant 5 : i32
      %mul3A_196 = arith.muli %add3A_194, %mul3A_195 : i32
      %add3A_197 = arith.constant 0 : i32
      %add3A_198 = arith.addi %mul3A_196, %add3A_197 : i32
      %mul3A_199 = arith.constant 200 : i32
      %mul3A_200 = arith.muli %add3A_198, %mul3A_199 : i32
      %add3A_201 = arith.addi %mul3A_0, %mul3A_200 : i32
      %dma_start3A_202 = tpu.memref_slice %arg2[%add3A_201, %mul3A_4] : memref<320000x128xf32, #tpu.memory_space<hbm>> -> memref<200x64xf32, #tpu.memory_space<hbm>>
      %dma_start3A_203 = tpu.memref_slice %arg2[%add3A_201, %mul3A_4] : memref<320000x128xf32, #tpu.memory_space<hbm>> -> memref<200x64xf32, #tpu.memory_space<hbm>>
      tpu.enqueue_dma source(%dma_start3A_203 : memref<200x64xf32, #tpu.memory_space<hbm>>) target(%arg7 : memref<200x64xf32, #tpu.memory_space<vmem>>) target_semaphore(%arg17 : memref<!tpu.dma_semaphore, #tpu.memory_space<semaphore_mem>>)
      %dma_start3A_204 = tpu.memref_slice %arg3[%add3A_201] : memref<320000xi32, #tpu.memory_space<hbm>> -> memref<200xi32, #tpu.memory_space<hbm>>
      %dma_start3A_205 = tpu.memref_slice %arg3[%add3A_201] : memref<320000xi32, #tpu.memory_space<hbm>> -> memref<200xi32, #tpu.memory_space<hbm>>
      tpu.enqueue_dma source(%dma_start3A_205 : memref<200xi32, #tpu.memory_space<hbm>>) target(%arg12 : memref<200xi32, #tpu.memory_space<vmem>>) target_semaphore(%arg17 : memref<!tpu.dma_semaphore, #tpu.memory_space<semaphore_mem>>)
      %dma_wait3A_206 = arith.constant 0 : i32
      %dma_wait3A_207 = arith.constant 0 : i32
      %dma_wait3A_208 = tpu.memref_slice %arg6[%dma_wait3A_206, %dma_wait3A_207] : memref<10112x64xf32, #tpu.memory_space<vmem_shared>> -> memref<10112x64xf32, #tpu.memory_space<vmem_shared>>
      tpu.wait_indirect_dma semaphore(%arg23 : memref<!tpu.dma_semaphore, #tpu.memory_space<semaphore_mem>>) src(%arg8 : memref<200x64xf32, #tpu.memory_space<vmem>>) dst(%dma_wait3A_208 : memref<10112x64xf32, #tpu.memory_space<vmem_shared>>)
      %add3A_209 = arith.constant 1 : i32
      %add3A_210 = arith.addi %scan3A_124, %add3A_209 : i32
      %mul3A_211 = arith.constant 5 : i32
      %mul3A_212 = arith.muli %add3A_210, %mul3A_211 : i32
      %add3A_213 = arith.constant 1 : i32
      %add3A_214 = arith.addi %mul3A_212, %add3A_213 : i32
      %mul3A_215 = arith.constant 200 : i32
      %mul3A_216 = arith.muli %add3A_214, %mul3A_215 : i32
      %add3A_217 = arith.addi %mul3A_0, %mul3A_216 : i32
      %dma_start3A_218 = tpu.memref_slice %arg2[%add3A_217, %mul3A_4] : memref<320000x128xf32, #tpu.memory_space<hbm>> -> memref<200x64xf32, #tpu.memory_space<hbm>>
      %dma_start3A_219 = tpu.memref_slice %arg2[%add3A_217, %mul3A_4] : memref<320000x128xf32, #tpu.memory_space<hbm>> -> memref<200x64xf32, #tpu.memory_space<hbm>>
      tpu.enqueue_dma source(%dma_start3A_219 : memref<200x64xf32, #tpu.memory_space<hbm>>) target(%arg8 : memref<200x64xf32, #tpu.memory_space<vmem>>) target_semaphore(%arg18 : memref<!tpu.dma_semaphore, #tpu.memory_space<semaphore_mem>>)
      %dma_start3A_220 = tpu.memref_slice %arg3[%add3A_217] : memref<320000xi32, #tpu.memory_space<hbm>> -> memref<200xi32, #tpu.memory_space<hbm>>
      %dma_start3A_221 = tpu.memref_slice %arg3[%add3A_217] : memref<320000xi32, #tpu.memory_space<hbm>> -> memref<200xi32, #tpu.memory_space<hbm>>
      tpu.enqueue_dma source(%dma_start3A_221 : memref<200xi32, #tpu.memory_space<hbm>>) target(%arg13 : memref<200xi32, #tpu.memory_space<vmem>>) target_semaphore(%arg18 : memref<!tpu.dma_semaphore, #tpu.memory_space<semaphore_mem>>)
      %dma_wait3A_222 = arith.constant 0 : i32
      %dma_wait3A_223 = arith.constant 0 : i32
      %dma_wait3A_224 = tpu.memref_slice %arg6[%dma_wait3A_222, %dma_wait3A_223] : memref<10112x64xf32, #tpu.memory_space<vmem_shared>> -> memref<10112x64xf32, #tpu.memory_space<vmem_shared>>
      tpu.wait_indirect_dma semaphore(%arg24 : memref<!tpu.dma_semaphore, #tpu.memory_space<semaphore_mem>>) src(%arg9 : memref<200x64xf32, #tpu.memory_space<vmem>>) dst(%dma_wait3A_224 : memref<10112x64xf32, #tpu.memory_space<vmem_shared>>)
      %add3A_225 = arith.constant 1 : i32
      %add3A_226 = arith.addi %scan3A_124, %add3A_225 : i32
      %mul3A_227 = arith.constant 5 : i32
      %mul3A_228 = arith.muli %add3A_226, %mul3A_227 : i32
      %add3A_229 = arith.constant 2 : i32
      %add3A_230 = arith.addi %mul3A_228, %add3A_229 : i32
      %mul3A_231 = arith.constant 200 : i32
      %mul3A_232 = arith.muli %add3A_230, %mul3A_231 : i32
      %add3A_233 = arith.addi %mul3A_0, %mul3A_232 : i32
      %dma_start3A_234 = tpu.memref_slice %arg2[%add3A_233, %mul3A_4] : memref<320000x128xf32, #tpu.memory_space<hbm>> -> memref<200x64xf32, #tpu.memory_space<hbm>>
      %dma_start3A_235 = tpu.memref_slice %arg2[%add3A_233, %mul3A_4] : memref<320000x128xf32, #tpu.memory_space<hbm>> -> memref<200x64xf32, #tpu.memory_space<hbm>>
      tpu.enqueue_dma source(%dma_start3A_235 : memref<200x64xf32, #tpu.memory_space<hbm>>) target(%arg9 : memref<200x64xf32, #tpu.memory_space<vmem>>) target_semaphore(%arg19 : memref<!tpu.dma_semaphore, #tpu.memory_space<semaphore_mem>>)
      %dma_start3A_236 = tpu.memref_slice %arg3[%add3A_233] : memref<320000xi32, #tpu.memory_space<hbm>> -> memref<200xi32, #tpu.memory_space<hbm>>
      %dma_start3A_237 = tpu.memref_slice %arg3[%add3A_233] : memref<320000xi32, #tpu.memory_space<hbm>> -> memref<200xi32, #tpu.memory_space<hbm>>
      tpu.enqueue_dma source(%dma_start3A_237 : memref<200xi32, #tpu.memory_space<hbm>>) target(%arg14 : memref<200xi32, #tpu.memory_space<vmem>>) target_semaphore(%arg19 : memref<!tpu.dma_semaphore, #tpu.memory_space<semaphore_mem>>)
      %dma_wait3A_238 = arith.constant 0 : i32
      %dma_wait3A_239 = arith.constant 0 : i32
      %dma_wait3A_240 = tpu.memref_slice %arg6[%dma_wait3A_238, %dma_wait3A_239] : memref<10112x64xf32, #tpu.memory_space<vmem_shared>> -> memref<10112x64xf32, #tpu.memory_space<vmem_shared>>
      tpu.wait_indirect_dma semaphore(%arg25 : memref<!tpu.dma_semaphore, #tpu.memory_space<semaphore_mem>>) src(%arg10 : memref<200x64xf32, #tpu.memory_space<vmem>>) dst(%dma_wait3A_240 : memref<10112x64xf32, #tpu.memory_space<vmem_shared>>)
      %add3A_241 = arith.constant 1 : i32
      %add3A_242 = arith.addi %scan3A_124, %add3A_241 : i32
      %mul3A_243 = arith.constant 5 : i32
      %mul3A_244 = arith.muli %add3A_242, %mul3A_243 : i32
      %add3A_245 = arith.constant 3 : i32
      %add3A_246 = arith.addi %mul3A_244, %add3A_245 : i32
      %mul3A_247 = arith.constant 200 : i32
      %mul3A_248 = arith.muli %add3A_246, %mul3A_247 : i32
      %add3A_249 = arith.addi %mul3A_0, %mul3A_248 : i32
      %dma_start3A_250 = tpu.memref_slice %arg2[%add3A_249, %mul3A_4] : memref<320000x128xf32, #tpu.memory_space<hbm>> -> memref<200x64xf32, #tpu.memory_space<hbm>>
      %dma_start3A_251 = tpu.memref_slice %arg2[%add3A_249, %mul3A_4] : memref<320000x128xf32, #tpu.memory_space<hbm>> -> memref<200x64xf32, #tpu.memory_space<hbm>>
      tpu.enqueue_dma source(%dma_start3A_251 : memref<200x64xf32, #tpu.memory_space<hbm>>) target(%arg10 : memref<200x64xf32, #tpu.memory_space<vmem>>) target_semaphore(%arg20 : memref<!tpu.dma_semaphore, #tpu.memory_space<semaphore_mem>>)
      %dma_start3A_252 = tpu.memref_slice %arg3[%add3A_249] : memref<320000xi32, #tpu.memory_space<hbm>> -> memref<200xi32, #tpu.memory_space<hbm>>
      %dma_start3A_253 = tpu.memref_slice %arg3[%add3A_249] : memref<320000xi32, #tpu.memory_space<hbm>> -> memref<200xi32, #tpu.memory_space<hbm>>
      tpu.enqueue_dma source(%dma_start3A_253 : memref<200xi32, #tpu.memory_space<hbm>>) target(%arg15 : memref<200xi32, #tpu.memory_space<vmem>>) target_semaphore(%arg20 : memref<!tpu.dma_semaphore, #tpu.memory_space<semaphore_mem>>)
      %dma_wait3A_254 = arith.constant 0 : i32
      %dma_wait3A_255 = arith.constant 0 : i32
      %dma_wait3A_256 = tpu.memref_slice %arg6[%dma_wait3A_254, %dma_wait3A_255] : memref<10112x64xf32, #tpu.memory_space<vmem_shared>> -> memref<10112x64xf32, #tpu.memory_space<vmem_shared>>
      tpu.wait_indirect_dma semaphore(%arg26 : memref<!tpu.dma_semaphore, #tpu.memory_space<semaphore_mem>>) src(%arg11 : memref<200x64xf32, #tpu.memory_space<vmem>>) dst(%dma_wait3A_256 : memref<10112x64xf32, #tpu.memory_space<vmem_shared>>)
      %add3A_257 = arith.constant 1 : i32
      %add3A_258 = arith.addi %scan3A_124, %add3A_257 : i32
      %mul3A_259 = arith.constant 5 : i32
      %mul3A_260 = arith.muli %add3A_258, %mul3A_259 : i32
      %add3A_261 = arith.constant 4 : i32
      %add3A_262 = arith.addi %mul3A_260, %add3A_261 : i32
      %mul3A_263 = arith.constant 200 : i32
      %mul3A_264 = arith.muli %add3A_262, %mul3A_263 : i32
      %add3A_265 = arith.addi %mul3A_0, %mul3A_264 : i32
      %dma_start3A_266 = tpu.memref_slice %arg2[%add3A_265, %mul3A_4] : memref<320000x128xf32, #tpu.memory_space<hbm>> -> memref<200x64xf32, #tpu.memory_space<hbm>>
      %dma_start3A_267 = tpu.memref_slice %arg2[%add3A_265, %mul3A_4] : memref<320000x128xf32, #tpu.memory_space<hbm>> -> memref<200x64xf32, #tpu.memory_space<hbm>>
      tpu.enqueue_dma source(%dma_start3A_267 : memref<200x64xf32, #tpu.memory_space<hbm>>) target(%arg11 : memref<200x64xf32, #tpu.memory_space<vmem>>) target_semaphore(%arg21 : memref<!tpu.dma_semaphore, #tpu.memory_space<semaphore_mem>>)
      %dma_start3A_268 = tpu.memref_slice %arg3[%add3A_265] : memref<320000xi32, #tpu.memory_space<hbm>> -> memref<200xi32, #tpu.memory_space<hbm>>
      %dma_start3A_269 = tpu.memref_slice %arg3[%add3A_265] : memref<320000xi32, #tpu.memory_space<hbm>> -> memref<200xi32, #tpu.memory_space<hbm>>
      tpu.enqueue_dma source(%dma_start3A_269 : memref<200xi32, #tpu.memory_space<hbm>>) target(%arg16 : memref<200xi32, #tpu.memory_space<vmem>>) target_semaphore(%arg21 : memref<!tpu.dma_semaphore, #tpu.memory_space<semaphore_mem>>)
    }
    %scan3A_37 = arith.constant 19 : i32
    %dma_wait3A = arith.constant 0 : i32
    %dma_wait3A_38 = arith.constant 0 : i32
    %dma_wait3A_39 = tpu.memref_slice %arg2[%dma_wait3A, %dma_wait3A_38] : memref<320000x128xf32, #tpu.memory_space<hbm>> -> memref<200x64xf32, #tpu.memory_space<hbm>>
    %dma_wait3A_40 = arith.constant 0 : i32
    %dma_wait3A_41 = arith.constant 0 : i32
    %dma_wait3A_42 = tpu.memref_slice %arg2[%dma_wait3A_40, %dma_wait3A_41] : memref<320000x128xf32, #tpu.memory_space<hbm>> -> memref<200x64xf32, #tpu.memory_space<hbm>>
    tpu.wait_dma2 semaphore(%arg17 : memref<!tpu.dma_semaphore, #tpu.memory_space<semaphore_mem>>) src(%dma_wait3A_42 : memref<200x64xf32, #tpu.memory_space<hbm>>) dst(%arg7 : memref<200x64xf32, #tpu.memory_space<vmem>>)
    %dma_wait3A_43 = arith.constant 0 : i32
    %dma_wait3A_44 = tpu.memref_slice %arg3[%dma_wait3A_43] : memref<320000xi32, #tpu.memory_space<hbm>> -> memref<200xi32, #tpu.memory_space<hbm>>
    %dma_wait3A_45 = arith.constant 0 : i32
    %dma_wait3A_46 = tpu.memref_slice %arg3[%dma_wait3A_45] : memref<320000xi32, #tpu.memory_space<hbm>> -> memref<200xi32, #tpu.memory_space<hbm>>
    tpu.wait_dma2 semaphore(%arg17 : memref<!tpu.dma_semaphore, #tpu.memory_space<semaphore_mem>>) src(%dma_wait3A_46 : memref<200xi32, #tpu.memory_space<hbm>>) dst(%arg12 : memref<200xi32, #tpu.memory_space<vmem>>)
    %dma_start3A_47 = arith.constant 0 : i32
    %dma_start3A_48 = arith.constant 0 : i32
    %dma_start3A_49 = tpu.memref_slice %arg6[%dma_start3A_47, %dma_start3A_48] : memref<10112x64xf32, #tpu.memory_space<vmem_shared>> -> memref<10112x64xf32, #tpu.memory_space<vmem_shared>>
    tpu.enqueue_indirect_dma source(%arg7 : memref<200x64xf32, #tpu.memory_space<vmem>>) target(%dma_start3A_49 : memref<10112x64xf32, #tpu.memory_space<vmem_shared>>) offsets(%arg12 : memref<200xi32, #tpu.memory_space<vmem>>) semaphore(%arg22 : memref<!tpu.dma_semaphore, #tpu.memory_space<semaphore_mem>>) {add = true}
    %dma_wait3A_50 = arith.constant 0 : i32
    %dma_wait3A_51 = arith.constant 0 : i32
    %dma_wait3A_52 = tpu.memref_slice %arg2[%dma_wait3A_50, %dma_wait3A_51] : memref<320000x128xf32, #tpu.memory_space<hbm>> -> memref<200x64xf32, #tpu.memory_space<hbm>>
    %dma_wait3A_53 = arith.constant 0 : i32
    %dma_wait3A_54 = arith.constant 0 : i32
    %dma_wait3A_55 = tpu.memref_slice %arg2[%dma_wait3A_53, %dma_wait3A_54] : memref<320000x128xf32, #tpu.memory_space<hbm>> -> memref<200x64xf32, #tpu.memory_space<hbm>>
    tpu.wait_dma2 semaphore(%arg18 : memref<!tpu.dma_semaphore, #tpu.memory_space<semaphore_mem>>) src(%dma_wait3A_55 : memref<200x64xf32, #tpu.memory_space<hbm>>) dst(%arg8 : memref<200x64xf32, #tpu.memory_space<vmem>>)
    %dma_wait3A_56 = arith.constant 0 : i32
    %dma_wait3A_57 = tpu.memref_slice %arg3[%dma_wait3A_56] : memref<320000xi32, #tpu.memory_space<hbm>> -> memref<200xi32, #tpu.memory_space<hbm>>
    %dma_wait3A_58 = arith.constant 0 : i32
    %dma_wait3A_59 = tpu.memref_slice %arg3[%dma_wait3A_58] : memref<320000xi32, #tpu.memory_space<hbm>> -> memref<200xi32, #tpu.memory_space<hbm>>
    tpu.wait_dma2 semaphore(%arg18 : memref<!tpu.dma_semaphore, #tpu.memory_space<semaphore_mem>>) src(%dma_wait3A_59 : memref<200xi32, #tpu.memory_space<hbm>>) dst(%arg13 : memref<200xi32, #tpu.memory_space<vmem>>)
    %dma_start3A_60 = arith.constant 0 : i32
    %dma_start3A_61 = arith.constant 0 : i32
    %dma_start3A_62 = tpu.memref_slice %arg6[%dma_start3A_60, %dma_start3A_61] : memref<10112x64xf32, #tpu.memory_space<vmem_shared>> -> memref<10112x64xf32, #tpu.memory_space<vmem_shared>>
    tpu.enqueue_indirect_dma source(%arg8 : memref<200x64xf32, #tpu.memory_space<vmem>>) target(%dma_start3A_62 : memref<10112x64xf32, #tpu.memory_space<vmem_shared>>) offsets(%arg13 : memref<200xi32, #tpu.memory_space<vmem>>) semaphore(%arg23 : memref<!tpu.dma_semaphore, #tpu.memory_space<semaphore_mem>>) {add = true}
    %dma_wait3A_63 = arith.constant 0 : i32
    %dma_wait3A_64 = arith.constant 0 : i32
    %dma_wait3A_65 = tpu.memref_slice %arg2[%dma_wait3A_63, %dma_wait3A_64] : memref<320000x128xf32, #tpu.memory_space<hbm>> -> memref<200x64xf32, #tpu.memory_space<hbm>>
    %dma_wait3A_66 = arith.constant 0 : i32
    %dma_wait3A_67 = arith.constant 0 : i32
    %dma_wait3A_68 = tpu.memref_slice %arg2[%dma_wait3A_66, %dma_wait3A_67] : memref<320000x128xf32, #tpu.memory_space<hbm>> -> memref<200x64xf32, #tpu.memory_space<hbm>>
    tpu.wait_dma2 semaphore(%arg19 : memref<!tpu.dma_semaphore, #tpu.memory_space<semaphore_mem>>) src(%dma_wait3A_68 : memref<200x64xf32, #tpu.memory_space<hbm>>) dst(%arg9 : memref<200x64xf32, #tpu.memory_space<vmem>>)
    %dma_wait3A_69 = arith.constant 0 : i32
    %dma_wait3A_70 = tpu.memref_slice %arg3[%dma_wait3A_69] : memref<320000xi32, #tpu.memory_space<hbm>> -> memref<200xi32, #tpu.memory_space<hbm>>
    %dma_wait3A_71 = arith.constant 0 : i32
    %dma_wait3A_72 = tpu.memref_slice %arg3[%dma_wait3A_71] : memref<320000xi32, #tpu.memory_space<hbm>> -> memref<200xi32, #tpu.memory_space<hbm>>
    tpu.wait_dma2 semaphore(%arg19 : memref<!tpu.dma_semaphore, #tpu.memory_space<semaphore_mem>>) src(%dma_wait3A_72 : memref<200xi32, #tpu.memory_space<hbm>>) dst(%arg14 : memref<200xi32, #tpu.memory_space<vmem>>)
    %dma_start3A_73 = arith.constant 0 : i32
    %dma_start3A_74 = arith.constant 0 : i32
    %dma_start3A_75 = tpu.memref_slice %arg6[%dma_start3A_73, %dma_start3A_74] : memref<10112x64xf32, #tpu.memory_space<vmem_shared>> -> memref<10112x64xf32, #tpu.memory_space<vmem_shared>>
    tpu.enqueue_indirect_dma source(%arg9 : memref<200x64xf32, #tpu.memory_space<vmem>>) target(%dma_start3A_75 : memref<10112x64xf32, #tpu.memory_space<vmem_shared>>) offsets(%arg14 : memref<200xi32, #tpu.memory_space<vmem>>) semaphore(%arg24 : memref<!tpu.dma_semaphore, #tpu.memory_space<semaphore_mem>>) {add = true}
    %dma_wait3A_76 = arith.constant 0 : i32
    %dma_wait3A_77 = arith.constant 0 : i32
    %dma_wait3A_78 = tpu.memref_slice %arg2[%dma_wait3A_76, %dma_wait3A_77] : memref<320000x128xf32, #tpu.memory_space<hbm>> -> memref<200x64xf32, #tpu.memory_space<hbm>>
    %dma_wait3A_79 = arith.constant 0 : i32
    %dma_wait3A_80 = arith.constant 0 : i32
    %dma_wait3A_81 = tpu.memref_slice %arg2[%dma_wait3A_79, %dma_wait3A_80] : memref<320000x128xf32, #tpu.memory_space<hbm>> -> memref<200x64xf32, #tpu.memory_space<hbm>>
    tpu.wait_dma2 semaphore(%arg20 : memref<!tpu.dma_semaphore, #tpu.memory_space<semaphore_mem>>) src(%dma_wait3A_81 : memref<200x64xf32, #tpu.memory_space<hbm>>) dst(%arg10 : memref<200x64xf32, #tpu.memory_space<vmem>>)
    %dma_wait3A_82 = arith.constant 0 : i32
    %dma_wait3A_83 = tpu.memref_slice %arg3[%dma_wait3A_82] : memref<320000xi32, #tpu.memory_space<hbm>> -> memref<200xi32, #tpu.memory_space<hbm>>
    %dma_wait3A_84 = arith.constant 0 : i32
    %dma_wait3A_85 = tpu.memref_slice %arg3[%dma_wait3A_84] : memref<320000xi32, #tpu.memory_space<hbm>> -> memref<200xi32, #tpu.memory_space<hbm>>
    tpu.wait_dma2 semaphore(%arg20 : memref<!tpu.dma_semaphore, #tpu.memory_space<semaphore_mem>>) src(%dma_wait3A_85 : memref<200xi32, #tpu.memory_space<hbm>>) dst(%arg15 : memref<200xi32, #tpu.memory_space<vmem>>)
    %dma_start3A_86 = arith.constant 0 : i32
    %dma_start3A_87 = arith.constant 0 : i32
    %dma_start3A_88 = tpu.memref_slice %arg6[%dma_start3A_86, %dma_start3A_87] : memref<10112x64xf32, #tpu.memory_space<vmem_shared>> -> memref<10112x64xf32, #tpu.memory_space<vmem_shared>>
    tpu.enqueue_indirect_dma source(%arg10 : memref<200x64xf32, #tpu.memory_space<vmem>>) target(%dma_start3A_88 : memref<10112x64xf32, #tpu.memory_space<vmem_shared>>) offsets(%arg15 : memref<200xi32, #tpu.memory_space<vmem>>) semaphore(%arg25 : memref<!tpu.dma_semaphore, #tpu.memory_space<semaphore_mem>>) {add = true}
    %dma_wait3A_89 = arith.constant 0 : i32
    %dma_wait3A_90 = arith.constant 0 : i32
    %dma_wait3A_91 = tpu.memref_slice %arg2[%dma_wait3A_89, %dma_wait3A_90] : memref<320000x128xf32, #tpu.memory_space<hbm>> -> memref<200x64xf32, #tpu.memory_space<hbm>>
    %dma_wait3A_92 = arith.constant 0 : i32
    %dma_wait3A_93 = arith.constant 0 : i32
    %dma_wait3A_94 = tpu.memref_slice %arg2[%dma_wait3A_92, %dma_wait3A_93] : memref<320000x128xf32, #tpu.memory_space<hbm>> -> memref<200x64xf32, #tpu.memory_space<hbm>>
    tpu.wait_dma2 semaphore(%arg21 : memref<!tpu.dma_semaphore, #tpu.memory_space<semaphore_mem>>) src(%dma_wait3A_94 : memref<200x64xf32, #tpu.memory_space<hbm>>) dst(%arg11 : memref<200x64xf32, #tpu.memory_space<vmem>>)
    %dma_wait3A_95 = arith.constant 0 : i32
    %dma_wait3A_96 = tpu.memref_slice %arg3[%dma_wait3A_95] : memref<320000xi32, #tpu.memory_space<hbm>> -> memref<200xi32, #tpu.memory_space<hbm>>
    %dma_wait3A_97 = arith.constant 0 : i32
    %dma_wait3A_98 = tpu.memref_slice %arg3[%dma_wait3A_97] : memref<320000xi32, #tpu.memory_space<hbm>> -> memref<200xi32, #tpu.memory_space<hbm>>
    tpu.wait_dma2 semaphore(%arg21 : memref<!tpu.dma_semaphore, #tpu.memory_space<semaphore_mem>>) src(%dma_wait3A_98 : memref<200xi32, #tpu.memory_space<hbm>>) dst(%arg16 : memref<200xi32, #tpu.memory_space<vmem>>)
    %dma_start3A_99 = arith.constant 0 : i32
    %dma_start3A_100 = arith.constant 0 : i32
    %dma_start3A_101 = tpu.memref_slice %arg6[%dma_start3A_99, %dma_start3A_100] : memref<10112x64xf32, #tpu.memory_space<vmem_shared>> -> memref<10112x64xf32, #tpu.memory_space<vmem_shared>>
    tpu.enqueue_indirect_dma source(%arg11 : memref<200x64xf32, #tpu.memory_space<vmem>>) target(%dma_start3A_101 : memref<10112x64xf32, #tpu.memory_space<vmem_shared>>) offsets(%arg16 : memref<200xi32, #tpu.memory_space<vmem>>) semaphore(%arg26 : memref<!tpu.dma_semaphore, #tpu.memory_space<semaphore_mem>>) {add = true}
    %dma_wait3A_102 = arith.constant 0 : i32
    %dma_wait3A_103 = arith.constant 0 : i32
    %dma_wait3A_104 = tpu.memref_slice %arg6[%dma_wait3A_102, %dma_wait3A_103] : memref<10112x64xf32, #tpu.memory_space<vmem_shared>> -> memref<10112x64xf32, #tpu.memory_space<vmem_shared>>
    tpu.wait_indirect_dma semaphore(%arg22 : memref<!tpu.dma_semaphore, #tpu.memory_space<semaphore_mem>>) src(%arg7 : memref<200x64xf32, #tpu.memory_space<vmem>>) dst(%dma_wait3A_104 : memref<10112x64xf32, #tpu.memory_space<vmem_shared>>)
    %dma_wait3A_105 = arith.constant 0 : i32
    %dma_wait3A_106 = arith.constant 0 : i32
    %dma_wait3A_107 = tpu.memref_slice %arg6[%dma_wait3A_105, %dma_wait3A_106] : memref<10112x64xf32, #tpu.memory_space<vmem_shared>> -> memref<10112x64xf32, #tpu.memory_space<vmem_shared>>
    tpu.wait_indirect_dma semaphore(%arg23 : memref<!tpu.dma_semaphore, #tpu.memory_space<semaphore_mem>>) src(%arg8 : memref<200x64xf32, #tpu.memory_space<vmem>>) dst(%dma_wait3A_107 : memref<10112x64xf32, #tpu.memory_space<vmem_shared>>)
    %dma_wait3A_108 = arith.constant 0 : i32
    %dma_wait3A_109 = arith.constant 0 : i32
    %dma_wait3A_110 = tpu.memref_slice %arg6[%dma_wait3A_108, %dma_wait3A_109] : memref<10112x64xf32, #tpu.memory_space<vmem_shared>> -> memref<10112x64xf32, #tpu.memory_space<vmem_shared>>
    tpu.wait_indirect_dma semaphore(%arg24 : memref<!tpu.dma_semaphore, #tpu.memory_space<semaphore_mem>>) src(%arg9 : memref<200x64xf32, #tpu.memory_space<vmem>>) dst(%dma_wait3A_110 : memref<10112x64xf32, #tpu.memory_space<vmem_shared>>)
    %dma_wait3A_111 = arith.constant 0 : i32
    %dma_wait3A_112 = arith.constant 0 : i32
    %dma_wait3A_113 = tpu.memref_slice %arg6[%dma_wait3A_111, %dma_wait3A_112] : memref<10112x64xf32, #tpu.memory_space<vmem_shared>> -> memref<10112x64xf32, #tpu.memory_space<vmem_shared>>
    tpu.wait_indirect_dma semaphore(%arg25 : memref<!tpu.dma_semaphore, #tpu.memory_space<semaphore_mem>>) src(%arg10 : memref<200x64xf32, #tpu.memory_space<vmem>>) dst(%dma_wait3A_113 : memref<10112x64xf32, #tpu.memory_space<vmem_shared>>)
    %dma_wait3A_114 = arith.constant 0 : i32
    %dma_wait3A_115 = arith.constant 0 : i32
    %dma_wait3A_116 = tpu.memref_slice %arg6[%dma_wait3A_114, %dma_wait3A_115] : memref<10112x64xf32, #tpu.memory_space<vmem_shared>> -> memref<10112x64xf32, #tpu.memory_space<vmem_shared>>
    tpu.wait_indirect_dma semaphore(%arg26 : memref<!tpu.dma_semaphore, #tpu.memory_space<semaphore_mem>>) src(%arg11 : memref<200x64xf32, #tpu.memory_space<vmem>>) dst(%dma_wait3A_116 : memref<10112x64xf32, #tpu.memory_space<vmem_shared>>)
    %barrier3A_117 = arith.constant 0 : index
    tpu.barrier barrier_id(%barrier3A_117)
    %lt3A = arith.constant 15 : i32
    %lt3A_118 = arith.cmpi slt, %arg1, %lt3A : i32
    %convert_element_type3A = arith.extui %lt3A_118 : i1 to i32
    %cond3A = arith.constant 0 : i32
    %cond3A_119 = arith.cmpi ne, %convert_element_type3A, %cond3A : i32
    scf.if %cond3A_119 {
      "tpu.region"() ({
        %run_scoped3A = tpu.sem_alloc : memref<!tpu.dma_semaphore, #tpu.memory_space<semaphore_mem>>
        %dma_start3A_124 = tpu.memref_slice %arg5[%mul3A_2, %mul3A_4] : memref<10000x128xf32, #tpu.memory_space<hbm>> -> memref<632x64xf32, #tpu.memory_space<hbm>>
        %dma_start3A_125 = arith.constant 0 : i32
        %dma_start3A_126 = tpu.memref_slice %arg6[%mul3A_2, %dma_start3A_125] : memref<10112x64xf32, #tpu.memory_space<vmem_shared>> -> memref<632x64xf32, #tpu.memory_space<vmem_shared>>
        tpu.enqueue_dma source(%dma_start3A_126 : memref<632x64xf32, #tpu.memory_space<vmem_shared>>) target(%dma_start3A_124 : memref<632x64xf32, #tpu.memory_space<hbm>>) target_semaphore(%run_scoped3A : memref<!tpu.dma_semaphore, #tpu.memory_space<semaphore_mem>>)
        %dma_wait3A_127 = tpu.memref_slice %arg5[%mul3A_2, %mul3A_4] : memref<10000x128xf32, #tpu.memory_space<hbm>> -> memref<632x64xf32, #tpu.memory_space<hbm>>
        %dma_wait3A_128 = arith.constant 0 : i32
        %dma_wait3A_129 = tpu.memref_slice %arg6[%mul3A_2, %dma_wait3A_128] : memref<10112x64xf32, #tpu.memory_space<vmem_shared>> -> memref<632x64xf32, #tpu.memory_space<vmem_shared>>
        tpu.wait_dma2 semaphore(%run_scoped3A : memref<!tpu.dma_semaphore, #tpu.memory_space<semaphore_mem>>) src(%dma_wait3A_129 : memref<632x64xf32, #tpu.memory_space<vmem_shared>>) dst(%dma_wait3A_127 : memref<632x64xf32, #tpu.memory_space<hbm>>)
        tpu.yield
      }) : () -> ()
    } else {
    }
    %eq3A = arith.constant 15 : i32
    %eq3A_120 = arith.cmpi eq, %arg1, %eq3A : i32
    %convert_element_type3A_121 = arith.extui %eq3A_120 : i1 to i32
    %cond3A_122 = arith.constant 0 : i32
    %cond3A_123 = arith.cmpi ne, %convert_element_type3A_121, %cond3A_122 : i32
    scf.if %cond3A_123 {
      "tpu.region"() ({
        %run_scoped3A = tpu.sem_alloc : memref<!tpu.dma_semaphore, #tpu.memory_space<semaphore_mem>>
        %dma_start3A_124 = tpu.memref_slice %arg5[%mul3A_2, %mul3A_4] : memref<10000x128xf32, #tpu.memory_space<hbm>> -> memref<520x64xf32, #tpu.memory_space<hbm>>
        %dma_start3A_125 = arith.constant 0 : i32
        %dma_start3A_126 = tpu.memref_slice %arg6[%mul3A_2, %dma_start3A_125] : memref<10112x64xf32, #tpu.memory_space<vmem_shared>> -> memref<520x64xf32, #tpu.memory_space<vmem_shared>>
        tpu.enqueue_dma source(%dma_start3A_126 : memref<520x64xf32, #tpu.memory_space<vmem_shared>>) target(%dma_start3A_124 : memref<520x64xf32, #tpu.memory_space<hbm>>) target_semaphore(%run_scoped3A : memref<!tpu.dma_semaphore, #tpu.memory_space<semaphore_mem>>)
        %dma_wait3A_127 = tpu.memref_slice %arg5[%mul3A_2, %mul3A_4] : memref<10000x128xf32, #tpu.memory_space<hbm>> -> memref<520x64xf32, #tpu.memory_space<hbm>>
        %dma_wait3A_128 = arith.constant 0 : i32
        %dma_wait3A_129 = tpu.memref_slice %arg6[%mul3A_2, %dma_wait3A_128] : memref<10112x64xf32, #tpu.memory_space<vmem_shared>> -> memref<520x64xf32, #tpu.memory_space<vmem_shared>>
        tpu.wait_dma2 semaphore(%run_scoped3A : memref<!tpu.dma_semaphore, #tpu.memory_space<semaphore_mem>>) src(%dma_wait3A_129 : memref<520x64xf32, #tpu.memory_space<vmem_shared>>) dst(%dma_wait3A_127 : memref<520x64xf32, #tpu.memory_space<hbm>>)
        tpu.yield
      }) : () -> ()
    } else {
    }
    return
  }
}

</mosaic_0001>

<sc_bundles>
// kernel: kernel.3.cloned.1.call-start
scs
__scs_entry_jumppad:
0x0: {  	(pc) =	sbr.rel $0x88, $3  }
0x1: {  	(tag) =	ssettag $0x0;
	lr =	simm.s32 $0x1  }
0x2: {  	[smem:$0x3F9F] =	sst lr;
	_ =	strace $0xD0000000  }
0x3: {  	_ = 	snop  }
0x4: {  	_ = 	snop  }
0x5: {  	_ = 	snop  }
0x6: {  	_ = 	snop  }
0x7: {  	_ = 	snop  }
__scs_overlays_trampoline_lowered:
0x8: {  	[smem:$0x3FAE] =	sst s0  }
0x9: {  	[smem:$0x3FAF] =	sst s1  }
0xa: {  	[smem:$0x3FB0] =	sst s2  }
0xb: {  	[smem:$0x3FB1] =	sst s3  }
0xc: {  	[smem:$0x3FB2] =	sst s4  }
0xd: {  	[smem:$0x3FB3] =	sst s5  }
0xe: {  	[smem:$0x3FB4] =	sst s6  }
0xf: {  	[smem:$0x3FB5] =	sst s7  }
0x10: {  	[smem:$0x3FB6] =	sst s8  }
0x11: {  	[smem:$0x3FB7] =	sst s9;
	s0 =	simm.s32 @!p0 $0x0  }
0x12: {  	s1 =	sld [smem:$0x3F9D];
	s0 =	simm.s32 @p0 $0x1  }
0x13: {  	[smem:$0x3FB8] =	sst s0;
	s0 =	simm.s32 @!p1 $0x0  }
0x14: {  	s2 =	sld [smem:$0x3F9C];
	s0 =	simm.s32 @p1 $0x1  }
0x15: {  	[smem:$0x3FB9] =	sst s0;
	s0 =	simm.s32 @!p2 $0x0  }
0x16: {  	s3 =	sld [smem:$0x3FDB];
	s0 =	simm.s32 @p2 $0x1  }
0x17: {  	s4 =	simm.s32 $0x1BF5;
	[smem:$0x3FBB] =	sst s0  }
0x18: {  	s0 =	sld [smem:$0x3F9E];
	_ =	swait.ge [sflag:s4], $0x0  }
0x19: {  	s7 =	sld [smem:$0x3F9F]  }
0x1a: {  	s8 =	sadd.s32 $0xFFFFE003, lr  }
0x1b: {  	s9 =	sadd.s32 $0xFFFFFEF7, lr;
	s5 =	simm.s32 $0xFFFFFFFF;
	p2 =	slt.u32 s8, $0xFFFFF086  }
0x1c: {  	p1 =	slt.u32 s9, $0xF7A;
	s5 =	simm.s32 @!p2 $0x0  }
0x1d: {  	s5 =	simm.s32 @p1 $0x1;
	p0 =	seq.s32 s7, s2  }
0x1e: {  	s7 =	smul.u32 @!p0 $0xF7A, s2;
	p2 =	seq.s32 @!p0 s5, $0x0  }
0x1f: {  	s9 =	smul.u32 $0xF7A, s1;
	s8 =	simm.s32 @!p0 $0x1BF5;
	p2 =	por !p2, p0  }
0x20: {  	[sflag:s8] =	ssyncset.s32 @!p0 $0xFFFFF086;
	s6 =	sadd.s32 @!p0 s3, s7;
	s7 =	simm.s32 @!p0 $0x108  }
0x21: {  	s3 =	sadd.s32 s3, s9;
	s6 =	sadd.s32 @!p0 $0x88, s6;
	s7 =	simm.s32 @p2 $0x1082  }
0x22: {  	[simem:s7], [sflag:s8] =	dma.local @!p0 [hbm:s6], $0xF7A  }
0x23: {  	s9 =	sor.u32 $0xD0000000, s2;
	s6 =	simm.s32 $0x108;
	_ =	swait.ge @!p0 [sflag:s8], $0x0  }
0x24: {  	s3 =	sadd.s32 $0x88, s3;
	s6 =	simm.s32 @!p1 $0x1082;
	[sflag:s4] =	ssyncset.s32 $0xFFFFF086  }
0x25: {  	[simem:s6], [sflag:s4] =	dma.local [hbm:s3], $0xF7A  }
0x26: {  	[smem:$0x3F9F] =	sst s1;
	(tag) =	ssettag s2;
	_ =	strace s9  }
0x27: {  	s1 =	sld [smem:$0x3FAF]  }
0x28: {  	s2 =	sld [smem:$0x3FB0]  }
0x29: {  	s4 =	sld [smem:$0x3FB2]  }
0x2a: {  	p0 =	seq.s32 s5, $0x0;
	s5 =	sld [smem:$0x3FB3]  }
0x2b: {  	s6 =	sld [smem:$0x3FB4]  }
0x2c: {  	s7 =	sld [smem:$0x3FB5]  }
0x2d: {  	s3 =	simm.s32 $0x108;
	s8 =	sld [smem:$0x3FB6]  }
0x2e: {  	s3 =	simm.s32 @!p0 $0x1082;
	s9 =	sld [smem:$0x3FB7]  }
0x2f: {  	lr =	sadd.s32 s0, s3;
	s0 =	sld [smem:$0x3FAE]  }
0x30: {  	s3 =	sld [smem:$0x3FB1]  }
0x31: {  	[smem:$0x3FBA] =	sst s10  }
0x32: {  	s10 =	sld [smem:$0x3FB8];
	_ =	sdelay $0x3  }
0x33: {  	p0 =	seq.s32 s10, $0x1;
	s10 =	sld [smem:$0x3FBA];
	_ =	sdelay $0x3  }
0x34: {  	[smem:$0x3FBA] =	sst s10  }
0x35: {  	s10 =	sld [smem:$0x3FB9];
	_ =	sdelay $0x3  }
0x36: {  	p1 =	seq.s32 s10, $0x1;
	s10 =	sld [smem:$0x3FBA];
	_ =	sdelay $0x3  }
0x37: {  	[smem:$0x3FBA] =	sst s10  }
0x38: {  	s10 =	sld [smem:$0x3FBB]  }
0x39: {  	_ = 	snop;
	(pc) =	sbr.ind lr, $3  }
0x3a: {  	_ = 	snop  }
0x3b: {  	_ = 	snop  }
0x3c: {  	p2 =	seq.s32 s10, $0x1;
	s10 =	sld [smem:$0x3FBA]  }
0x3d: {  	_ =	shalt  }
0x3e: {  	_ =	shalt  }
0x3f: {  	_ =	shalt  }
0x40: {  	_ =	shalt  }
0x41: {  	_ =	shalt  }
0x42: {  	_ =	shalt  }
0x43: {  	_ =	shalt  }
0x44: {  	_ =	shalt  }
0x45: {  	_ =	shalt  }
0x46: {  	_ =	shalt  }
0x47: {  	_ =	shalt  }
0x48: {  	_ =	shalt  }
0x49: {  	_ =	shalt  }
0x4a: {  	_ =	shalt  }
0x4b: {  	_ =	shalt  }
0x4c: {  	_ =	shalt  }
0x4d: {  	_ =	shalt  }
0x4e: {  	_ =	shalt  }
0x4f: {  	_ =	shalt  }
0x50: {  	_ =	shalt  }
0x51: {  	_ =	shalt  }
0x52: {  	_ =	shalt  }
0x53: {  	_ =	shalt  }
0x54: {  	_ =	shalt  }
0x55: {  	_ =	shalt  }
0x56: {  	_ =	shalt  }
0x57: {  	_ =	shalt  }
0x58: {  	_ =	shalt  }
0x59: {  	_ =	shalt  }
0x5a: {  	_ =	shalt  }
0x5b: {  	_ =	shalt  }
0x5c: {  	_ =	shalt  }
0x5d: {  	_ =	shalt  }
0x5e: {  	_ =	shalt  }
0x5f: {  	_ =	shalt  }
0x60: {  	_ =	shalt  }
0x61: {  	_ =	shalt  }
0x62: {  	_ =	shalt  }
0x63: {  	_ =	shalt  }
0x64: {  	_ =	shalt  }
0x65: {  	_ =	shalt  }
0x66: {  	_ =	shalt  }
0x67: {  	_ =	shalt  }
0x68: {  	_ =	shalt  }
0x69: {  	_ =	shalt  }
0x6a: {  	_ =	shalt  }
0x6b: {  	_ =	shalt  }
0x6c: {  	_ =	shalt  }
0x6d: {  	_ =	shalt  }
0x6e: {  	_ =	shalt  }
0x6f: {  	_ =	shalt  }
0x70: {  	_ =	shalt  }
0x71: {  	_ =	shalt  }
0x72: {  	_ =	shalt  }
0x73: {  	_ =	shalt  }
0x74: {  	_ =	shalt  }
0x75: {  	_ =	shalt  }
0x76: {  	_ =	shalt  }
0x77: {  	_ =	shalt  }
0x78: {  	_ =	shalt  }
0x79: {  	_ =	shalt  }
0x7a: {  	_ =	shalt  }
0x7b: {  	_ =	shalt  }
0x7c: {  	_ =	shalt  }
0x7d: {  	_ =	shalt  }
0x7e: {  	_ =	shalt  }
0x7f: {  	_ =	shalt  }
0x80: {  	_ =	shalt  }
0x81: {  	_ =	shalt  }
0x82: {  	_ =	shalt  }
0x83: {  	_ =	shalt  }
0x84: {  	_ =	shalt  }
0x85: {  	_ =	shalt  }
0x86: {  	_ =	shalt  }
0x87: {  	_ =	shalt  }
.Lfunc_end0:
.L_simem_size_0:
called_computation_lowered:
.L_overlay_start_0:
0x88: {  	s2 =	sld [smem:$0x3FD9]  }
0x89: {  	s3 =	sld [smem:$0x3FFE];
	_ =	sdelay $0x1  }
0x8a: {  	s1 =	srdreg.scid  }
0x8b: {  	s0 =	sand.u32 $0x1, s1  }
0x8c: {  	s17 =	sshll.u32 s0, $0xA;
	s2 =	sadd.s32 s3, s2  }
0x8d: {  	s2 =	sadd.s32 s2, s17  }
0x8e: {  	[smem:$0x3FC6] =	sst s2  }
0x8f: {  	_ = 	snop  }
0x90: {  	s2 =	sld [smem:$0x3FC9]  }
0x91: {  	s18 =	sld [smem:$0x3FC8]  }
0x92: {  	s4 =	sld [smem:$0x3FD0];
	(tm) =	ssettm $0x1  }
0x93: {  	s5 =	sld [smem:$0x3FFB];
	_ =	sdelay $0x3  }
0x94: {  	_ =	strace s5  }
0x95: {  	s5 =	sld [smem:$0x3FFC];
	_ =	sdelay $0x3  }
0x96: {  	_ =	strace s5  }
0x97: {  	s5 =	sld [smem:$0x3FFD];
	_ =	sdelay $0x3  }
0x98: {  	_ =	strace s5  }
0x99: {  	_ =	strace $0x8FFFFFFF  }
0x9a: {  	s19 =	sld [smem:$0x3FDB];
	_ =	sdelay $0x1  }
0x9b: {  	s6 =	simm.s32 $_scs_section_size  }
0x9c: {  	s7 =	simm.s32 $_size__tile_overlayer_lowered;
	s8 =	simm.s32 $_tile_overlayer_lowered  }
0x9d: {  	s22 =	simm.s32 $0x1BFF;
	s21 =	sshll.u32 s8, $0x1;
	s5 =	sadd.s32 s6, s19  }
0x9e: {  	s9 =	simm.s32 $0x0;
	s20 =	sshll.u32 s7, $0x1;
	s7 =	sadd.s32 s21, s5  }
0x9f: {  	[timem:s9], [sflag:s22] =	dma.local [hbm:s7], s20  }
0xa0: {  	_ =	swait.ge [sflag:s22], s20  }
0xa1: {  	s6 =	ssub.s32 $0x0, s20;
	[sflag:s22] =	ssyncset.done $0x0  }
0xa2: {  	[sflag:s22] =	ssyncadd.s32 s6;
	_ =	sdelay $0x1  }
0xa3: {  	s23 =	simm.s32 $0x1B8B  }
0xa4: {  	_ =	swait.ge [sflag:s23], $0x1  }
0xa5: {  	[sflag:s23] =	ssyncset.done $0x0  }
0xa6: {  	s25 =	simm.s32 $0x1B8E;
	s24 =	sld [smem:$0x3FFE];
	[sflag:s23] =	ssyncadd.s32 $0xFFFFFFFF  }
0xa7: {  	s26 =	simm.s32 $execute0_lowered;
	[smem:$0x3FD2] =	sst s25  }
0xa8: {  	s7 =	sshll.u32 s26, $0x1;
	_ =	strace $0x80000046;
	[dreg:$0x1] =	wrdreg $0xFFFFFFFF  }
0xa9: {  	s28 =	simm.s32 $_size_execute0_lowered;
	s5 =	sadd.s32 s5, s7;
	[dreg:$0x0] =	wrdreg $0x0  }
0xaa: {  	s7 =	sshll.u32 s28, $0x1;
	[dreg:$0x2] =	wrdreg s5  }
0xab: {  	[dreg:$0x3] =	wrdreg s7  }
0xac: {  	[dreg:$0x4] =	wrdreg $0xC0  }
0xad: {  	_ =	task [dreg:s9], $0x5FFFF  }
0xae: {  	[dreg:$0x1] =	wrdreg $0xFFFFFFFF  }
0xaf: {  	[dreg:$0x0] =	wrdreg $0x60  }
0xb0: {  	[dreg:$0x2] =	wrdreg s2  }
0xb1: {  	[dreg:$0x3] =	wrdreg s18  }
0xb2: {  	[dreg:$0x4] =	wrdreg s24  }
0xb3: {  	[dreg:$0x5] =	wrdreg s4  }
0xb4: {  	[dreg:$0x6] =	wrdreg $0x0  }
0xb5: {  	[dreg:$0x7] =	wrdreg $0x9  }
0xb6: {  	_ =	task.clear_ibuf [dreg:s9], $0x8FFFF;
	_ =	strace $0x90000046  }
0xb7: {  	s29 =	simm.s32 $0x9;
	_ =	strace $0x80000048  }
0xb8: {  	_ =	swait.ge [sflag:s29], $0x1  }
0xb9: {  	[sflag:s29] =	ssyncadd.s32 $0xFFFFFFFF  }
0xba: {  	_ =	strace $0x90000048  }
0xbb: {  	_ =	sfence  }
0xbc: {  	s30 =	sld [smem:$0x0];
	_ =	sdelay $0x2  }
0xbd: {  	s31 =	sshll.u32 s1, $0xD;
	s1 =	sshrl.u32 s1, $0x2  }
0xbe: {  	s3 =	sand.u32 $0x4000, s31;
	s1 =	sadd.s32 s1, s30  }
0xbf: {  	s0 =	sor.u32 s3, s0;
	s1 =	sshll.u32 s1, $0x11  }
0xc0: {  	s0 =	sor.u32 s1, s0  }
0xc1: {  	s0 =	sadd.s32 $0x8F2B, s0  }
0xc2: {  	[sflag:s0] =	ssyncadd.remote.s32 $0x1  }
0xc3: {  	_ =	sfence.sel $0xFFFF  }
0xc4: {  	[dreg:$0x0] =	wrdreg $0xFFFFFFFF;
	(pc) =	sbr.abs _section_cstart, $3  }
0xc5: {  	[dreg:$0x1] =	wrdreg $0xFFFFFFFF  }
0xc6: {  	_ =	task.clear_ibuf [dreg:s9], $0x2FFFF;
	_ =	strace $0x9FFFFFFF  }
0xc7: {  	(tm) =	ssettm $0x7FFFFFFF  }
tec
execute0_lowered:
.L_overlay_start_1:
0x0: {  	(tag) =	ssettag $0x1  }
0x1: {  	s17 =	rddreg [dreg:$0x0]  }
0x2: {  	s0 =	rddreg [dreg:$0x1]  }
0x3: {  	s1 =	rddreg [dreg:$0x2];
	s16 =	stileid.u32  }
0x4: {  	s2 =	rddreg [dreg:$0x3];
	s5 =	smul.u32 $0x9E00, s16  }
0x5: {  	s3 =	rddreg [dreg:$0x4];
	s4 =	simm.s32 $0x0;
	s8 =	smul.u32 $0x271000, s16  }
0x6: {  	s6 =	srdreg.scid;
	s28 =	simm.s32 $0x80;
	s10 =	smul.u32 $0x4E20, s16  }
0x7: {  	[smem:$0x7FF] =	sst s4;
	s6 =	sand.u32 $0x1, s6;
	s31 =	smul.u32 $0x13C00, s16  }
0x8: {  	p0 =	seq.s32 s16, $0xF;
	_ =	strace $0x80000047;
	s9 =	ssub.s32 $0x2, s6  }
0x9: {  	s11 =	sshll.u32 s6, $0x6;
	s7 =	sshrl.u32 s5, $0x3;
	s13 =	sshrl.u32 s9, $0x1  }
0xa: {  	s8 =	sor.u32 s11, s8;
	s12 =	sadd.s32 $0xC8, s10;
	s22 =	sadd.s32 $0x258, s10  }
0xb: {  	s1 =	sadd.s32 s7, s1;
	s7 =	ssub.s32 s9, s13;
	s14 =	sshrl.u32 s8, $0x3  }
0xc: {  	s15 =	sshll.u32 s12, $0x7;
	s13 =	sadd.s32 $0x190, s10;
	s19 =	sshrl.u32 s12, $0x3  }
0xd: {  	s24 =	sshll.u32 s22, $0x7;
	s9 =	sadd.s32 s17, s14;
	s14 =	sshrl.u32 s10, $0x3  }
0xe: {  	s23 =	sshrl.u32 s13, $0x3;
	s10 =	sadd.s32 $0x320, s10;
	s25 =	sor.u32 s11, s24  }
0xf: {  	s24 =	sadd.s32 s5, s3;
	s1 =	sadd.s32 $0x400, s1;
	[dreg:$0x7] =	wrdreg s9  }
0x10: {  	s9 =	sor.u32 s11, s15;
	s15 =	sshll.u32 s13, $0x7;
	s14 =	sadd.s32 s0, s14  }
0x11: {  	s12 =	sadd.s32 s0, s23;
	s26 =	sshll.u32 s10, $0x7;
	[dreg:$0x12] =	wrdreg s1  }
0x12: {  	s30 =	sshrl.u32 s10, $0x3;
	s23 =	sadd.s32 $0x2BC00, s8;
	[dreg:$0x11] =	wrdreg s24  }
0x13: {  	[dreg:$0x8] =	wrdreg s14;
	s9 =	sshrl.u32 s9, $0x3;
	s18 =	sor.u32 s11, s15  }
0x14: {  	[dreg:$0xc] =	wrdreg s12;
	s12 =	sshrl.u32 s25, $0x3;
	s13 =	sor.u32 s11, s26  }
0x15: {  	s14 =	smul.u32 $0x9C4, s16;
	s26 =	sadd.s32 $0x25800, s8;
	s9 =	sadd.s32 s17, s9  }
0x16: {  	s20 =	sshrl.u32 s18, $0x3;
	s12 =	sadd.s32 s17, s12;
	s29 =	sshrl.u32 s13, $0x3  }
0x17: {  	s13 =	sshll.u32 s6, $0x3;
	s18 =	sadd.s32 $0x38400, s8;
	[dreg:$0x9] =	wrdreg s9  }
0x18: {  	s9 =	sadd.s32 s0, s19;
	s21 =	sadd.s32 s17, s20;
	[dreg:$0xd] =	wrdreg s12  }
0x19: {  	s12 =	sor.u32 s11, s31;
	s15 =	sadd.s32 s13, s2;
	s19 =	sshrl.u32 s18, $0x3  }
0x1a: {  	s20 =	smax.u32 s7, $0x1;
	s31 =	sadd.s32 $0x1F400, s8;
	[dreg:$0xa] =	wrdreg s9  }
0x1b: {  	s11 =	simm.s32 $0x1;
	s13 =	simm.s32 $0x2;
	[dreg:$0xb] =	wrdreg s21  }
0x1c: {  	s18 =	simm.s32 $0x5;
	s9 =	sshrl.u32 s22, $0x3;
	[dreg:$0x16] =	wrdreg s20  }
0x1d: {  	s1 =	sshrl.u32 s12, $0x3;
	s21 =	sadd.s32 s19, s17;
	[dreg:$0x1b] =	wrdreg s31  }
0x1e: {  	s22 =	sadd.s32 $0x32000, s8;
	s9 =	sadd.s32 s0, s9;
	[dreg:$0x17] =	wrdreg s21  }
0x1f: {  	s12 =	simm.s32 $0xC8;
	s1 =	sadd.s32 s2, s1;
	[dreg:$0xe] =	wrdreg s9  }
0x20: {  	s2 =	sshrl.u32 s26, $0x3;
	s9 =	sadd.s32 s17, s29;
	[dreg:$0x14] =	wrdreg s1  }
0x21: {  	s26 =	simm.s32 $0x40;
	s1 =	sadd.s32 $0x25080, s15;
	[dreg:$0xf] =	wrdreg s9  }
0x22: {  	s21 =	simm.s32 $0x9;
	s9 =	sadd.s32 s0, s30;
	[dreg:$0x15] =	wrdreg s1  }
0x23: {  	s0 =	sadd.s32 s14, s0;
	s1 =	sshrl.u32 s23, $0x3;
	[dreg:$0x10] =	wrdreg s9  }
0x24: {  	s30 =	sadd.s32 s2, s17;
	s14 =	simm.s32 $0x3;
	[dreg:$0x6] =	wrdreg s0  }
0x25: {  	s0 =	sshrl.u32 s22, $0x3;
	s29 =	sadd.s32 s1, s17;
	[dreg:$0x1a] =	wrdreg s30  }
0x26: {  	s9 =	sshll.u32 s16, $0x6;
	s0 =	sadd.s32 s0, s17;
	[dreg:$0x19] =	wrdreg s29  }
0x27: {  	s16 =	simm.s32 $0x4;
	s25 =	sor.u32 $0x1C0B, s9;
	[dreg:$0x18] =	wrdreg s0  }
0x28: {  	s22 =	simm.s32 $0xA;
	s0 =	simm.s32 $0x0;
	[dreg:$0x13] =	wrdreg s25  }
.LBB2_1:
0x29: {  	[dreg:$0x1c] =	wrdreg s0  }
0x2a: {  	s10 =	rddreg [dreg:$0x7]  }
0x2b: {  	s2 =	simm.s32 $0x9E00;
	s15 =	rddreg [dreg:$0x8]  }
0x2c: {  	[tilespmem:s2], [sflag:$0x1] =	stream.strided.gather [hbm4b:s10+s26], $0x3200, s28, s26, $0x38;
	[tilespmem:$0x19BE8] =	vst v63  }
0x2d: {  	s5 =	simm.s32 $0x19800;
	s19 =	rddreg [dreg:$0x9]  }
0x2e: {  	[tilespmem:s5], [sflag:$0x1] =	stream.linear.gather [hbm4b:s15+s4], $0xC8, $0x38;
	[tilespmem:$0x19BE8] =	vst v63  }
0x2f: {  	s6 =	simm.s32 $0xD000;
	s20 =	rddreg [dreg:$0xa]  }
0x30: {  	[tilespmem:s6], [sflag:$0x2] =	stream.strided.gather [hbm4b:s19+s26], $0x3200, s28, s26, $0x38;
	[tilespmem:$0x19BE8] =	vst v63  }
0x31: {  	s7 =	simm.s32 $0x198C8;
	s23 =	rddreg [dreg:$0xb]  }
0x32: {  	[tilespmem:s7], [sflag:$0x2] =	stream.linear.gather [hbm4b:s20+s4], $0xC8, $0x38;
	[tilespmem:$0x19BE8] =	vst v63  }
0x33: {  	s8 =	simm.s32 $0x10200;
	s30 =	rddreg [dreg:$0xc]  }
0x34: {  	[tilespmem:s8], [sflag:$0x3] =	stream.strided.gather [hbm4b:s23+s26], $0x3200, s28, s26, $0x38;
	[tilespmem:$0x19BE8] =	vst v63  }
0x35: {  	s9 =	simm.s32 $0x19990;
	s31 =	rddreg [dreg:$0xd]  }
0x36: {  	[tilespmem:s9], [sflag:$0x3] =	stream.linear.gather [hbm4b:s30+s4], $0xC8, $0x38;
	[tilespmem:$0x19BE8] =	vst v63  }
0x37: {  	s1 =	rddreg [dreg:$0xe];
	s23 =	simm.s32 $0x13400  }
0x38: {  	[tilespmem:s23], [sflag:$0x4] =	stream.strided.gather [hbm4b:s31+s26], $0x3200, s28, s26, $0x38;
	[tilespmem:$0x19BE8] =	vst v63  }
0x39: {  	s10 =	rddreg [dreg:$0xf];
	s19 =	simm.s32 $0x19A58  }
0x3a: {  	[tilespmem:s19], [sflag:$0x4] =	stream.linear.gather [hbm4b:s1+s4], $0xC8, $0x38;
	[tilespmem:$0x19BE8] =	vst v63  }
0x3b: {  	s15 =	rddreg [dreg:$0x10];
	s20 =	simm.s32 $0x16600  }
0x3c: {  	[tilespmem:s20], [sflag:$0x5] =	stream.strided.gather [hbm4b:s10+s26], $0x3200, s28, s26, $0x38;
	[tilespmem:$0x19BE8] =	vst v63  }
0x3d: {  	s1 =	sshrl.u32 s24, $0x3;
	s24 =	rddreg [dreg:$0x12];
	s10 =	simm.s32 $0x19B20  }
0x3e: {  	[tilespmem:s10], [sflag:$0x5] =	stream.linear.gather [hbm4b:s15+s4], $0xC8, $0x38;
	[tilespmem:$0x19BE8] =	vst v63  }
0x3f: {  	[spmem:s1], [sflag:s25] =	dma.local [hbm:s24], $0x13C0  }
0x40: {  	s25 =	simm.s32 $0xB  }
0x41: {  	_ =	swait.ge [sflag:s25], $0x13C0  }
0x42: {  	[sflag:s25] =	ssyncset.done $0x0  }
0x43: {  	[sflag:s25] =	ssyncadd.s32 $0xFFFFEC40  }
0x44: {  	[bflag:$0x0] =	sbarrier.arrive $0xFFFF  }
0x45: {  	_ =	swait.ge [sflag:s11], $0x3200  }
0x46: {  	[sflag:s11] =	ssyncset.done $0x0  }
0x47: {  	[sflag:s11] =	ssyncadd.s32 $0xFFFFCE00  }
0x48: {  	_ =	swait.ge [sflag:s11], $0xC8  }
0x49: {  	[sflag:s11] =	ssyncset.done $0x0  }
0x4a: {  	[sflag:s11] =	ssyncadd.s32 $0xFFFFFF38  }
0x4b: {  	[spmem:s3] =	stream.indirect.scatter.add.f32 [tilespmem:s2], [sflag:$0x6], $0x40, s5, s12, $0xb8;
	[tilespmem:$0x19BE8] =	vst v63  }
0x4c: {  	_ =	swait.ge [sflag:s13], $0x3200  }
0x4d: {  	[sflag:s13] =	ssyncset.done $0x0  }
0x4e: {  	[sflag:s13] =	ssyncadd.s32 $0xFFFFCE00  }
0x4f: {  	_ =	swait.ge [sflag:s13], $0xC8  }
0x50: {  	[sflag:s13] =	ssyncset.done $0x0  }
0x51: {  	[sflag:s13] =	ssyncadd.s32 $0xFFFFFF38  }
0x52: {  	[spmem:s3] =	stream.indirect.scatter.add.f32 [tilespmem:s6], [sflag:$0x7], $0x40, s7, s12, $0xb8;
	[tilespmem:$0x19BE8] =	vst v63  }
0x53: {  	_ =	swait.ge [sflag:s14], $0x3200  }
0x54: {  	[sflag:s14] =	ssyncset.done $0x0  }
0x55: {  	[sflag:s14] =	ssyncadd.s32 $0xFFFFCE00  }
0x56: {  	_ =	swait.ge [sflag:s14], $0xC8  }
0x57: {  	[sflag:s14] =	ssyncset.done $0x0  }
0x58: {  	[sflag:s14] =	ssyncadd.s32 $0xFFFFFF38  }
0x59: {  	[spmem:s3] =	stream.indirect.scatter.add.f32 [tilespmem:s8], [sflag:$0x8], $0x40, s9, s12, $0xb8;
	[tilespmem:$0x19BE8] =	vst v63  }
0x5a: {  	_ =	swait.ge [sflag:s16], $0x3200  }
0x5b: {  	[sflag:s16] =	ssyncset.done $0x0  }
0x5c: {  	[sflag:s16] =	ssyncadd.s32 $0xFFFFCE00  }
0x5d: {  	_ =	swait.ge [sflag:s16], $0xC8  }
0x5e: {  	[sflag:s16] =	ssyncset.done $0x0  }
0x5f: {  	[sflag:s16] =	ssyncadd.s32 $0xFFFFFF38  }
0x60: {  	[spmem:s3] =	stream.indirect.scatter.add.f32 [tilespmem:s23], [sflag:$0x9], $0x40, s19, s12, $0xb8;
	[tilespmem:$0x19BE8] =	vst v63  }
0x61: {  	_ =	swait.ge [sflag:s18], $0x3200  }
0x62: {  	[sflag:s18] =	ssyncset.done $0x0  }
0x63: {  	[sflag:s18] =	ssyncadd.s32 $0xFFFFCE00  }
0x64: {  	_ =	swait.ge [sflag:s18], $0xC8  }
0x65: {  	[sflag:s18] =	ssyncset.done $0x0  }
0x66: {  	s30 =	simm.s32 $0x6;
	[sflag:s18] =	ssyncadd.s32 $0xFFFFFF38  }
0x67: {  	[spmem:s3] =	stream.indirect.scatter.add.f32 [tilespmem:s20], [sflag:$0xA], $0x40, s10, s12, $0xb8;
	[tilespmem:$0x19BE8] =	vst v63  }
0x68: {  	_ =	swait.ge [sflag:s30], $0x3200  }
0x69: {  	s25 =	rddreg [dreg:$0x1b]  }
0x6a: {  	[sflag:s30] =	ssyncset.done $0x0;
	s31 =	sshrl.u32 s25, $0x3  }
0x6b: {  	s15 =	rddreg [dreg:$0x6];
	[sflag:s30] =	ssyncadd.s32 $0xFFFFCE00;
	s1 =	sadd.s32 s17, s31  }
0x6c: {  	[tilespmem:s2], [sflag:$0x1] =	stream.strided.gather [hbm4b:s1+s26], $0x3200, s28, s26, $0x38;
	[tilespmem:$0x19BE8] =	vst v63  }
0x6d: {  	s2 =	sadd.s32 $0x0, s15  }
0x6e: {  	s15 =	sadd.s32 $0x7D, s2  }
0x6f: {  	[tilespmem:s5], [sflag:$0x1] =	stream.linear.gather [hbm4b:s15+s4], $0xC8, $0x38;
	[tilespmem:$0x19BE8] =	vst v63  }
0x70: {  	s5 =	simm.s32 $0x7  }
0x71: {  	_ =	swait.ge [sflag:s5], $0x3200  }
0x72: {  	[sflag:s5] =	ssyncset.done $0x0  }
0x73: {  	s29 =	rddreg [dreg:$0x1a];
	[sflag:s5] =	ssyncadd.s32 $0xFFFFCE00  }
0x74: {  	[tilespmem:s6], [sflag:$0x2] =	stream.strided.gather [hbm4b:s29+s26], $0x3200, s28, s26, $0x38;
	[tilespmem:$0x19BE8] =	vst v63  }
0x75: {  	s6 =	sadd.s32 $0x96, s2  }
0x76: {  	[tilespmem:s7], [sflag:$0x2] =	stream.linear.gather [hbm4b:s6+s4], $0xC8, $0x38;
	[tilespmem:$0x19BE8] =	vst v63  }
0x77: {  	s7 =	simm.s32 $0x8  }
0x78: {  	_ =	swait.ge [sflag:s7], $0x3200  }
0x79: {  	[sflag:s7] =	ssyncset.done $0x0  }
0x7a: {  	s10 =	rddreg [dreg:$0x19];
	[sflag:s7] =	ssyncadd.s32 $0xFFFFCE00  }
0x7b: {  	[tilespmem:s8], [sflag:$0x3] =	stream.strided.gather [hbm4b:s10+s26], $0x3200, s28, s26, $0x38;
	[tilespmem:$0x19BE8] =	vst v63  }
0x7c: {  	s17 =	sadd.s32 $0xAF, s2  }
0x7d: {  	[tilespmem:s9], [sflag:$0x3] =	stream.linear.gather [hbm4b:s17+s4], $0xC8, $0x38;
	[tilespmem:$0x19BE8] =	vst v63  }
0x7e: {  	_ =	swait.ge [sflag:s21], $0x3200  }
0x7f: {  	[sflag:s21] =	ssyncset.done $0x0  }
0x80: {  	s30 =	rddreg [dreg:$0x18];
	[sflag:s21] =	ssyncadd.s32 $0xFFFFCE00  }
0x81: {  	[tilespmem:s23], [sflag:$0x4] =	stream.strided.gather [hbm4b:s30+s26], $0x3200, s28, s26, $0x38;
	[tilespmem:$0x19BE8] =	vst v63  }
0x82: {  	s25 =	sadd.s32 $0x1F400, s25;
	s24 =	sadd.s32 $0xC8, s2;
	s15 =	sadd.s32 $0x3E80, s10  }
0x83: {  	[tilespmem:s19], [sflag:$0x4] =	stream.linear.gather [hbm4b:s24+s4], $0xC8, $0x38;
	[tilespmem:$0x19BE8] =	vst v63  }
0x84: {  	s17 =	sadd.s32 $0x3E80, s29;
	s29 =	sadd.s32 $0xE1, s2;
	_ =	swait.ge [sflag:s22], $0x3200  }
0x85: {  	s1 =	sadd.s32 $0x3E80, s30;
	[sflag:s22] =	ssyncset.done $0x0;
	s31 =	rddreg [dreg:$0x17]  }
0x86: {  	s24 =	simm.s32 $0x7D;
	[sflag:s22] =	ssyncadd.s32 $0xFFFFCE00;
	s23 =	sadd.s32 $0x3E80, s31  }
0x87: {  	[tilespmem:s20], [sflag:$0x5] =	stream.strided.gather [hbm4b:s31+s26], $0x3200, s28, s26, $0x38;
	[tilespmem:$0x19BE8] =	vst v63  }
.LBB2_2:
0x88: {  	s2 =	simm.s32 $0x19B20  }
0x89: {  	[tilespmem:s2], [sflag:$0x5] =	stream.linear.gather [hbm4b:s29+s4], $0xC8, $0x38;
	[tilespmem:$0x19BE8] =	vst v63  }
0x8a: {  	_ =	swait.ge [sflag:s11], $0x3200  }
0x8b: {  	[sflag:s11] =	ssyncset.done $0x0  }
0x8c: {  	[sflag:s11] =	ssyncadd.s32 $0xFFFFCE00  }
0x8d: {  	_ =	swait.ge [sflag:s11], $0xC8  }
0x8e: {  	[sflag:s11] =	ssyncset.done $0x0  }
0x8f: {  	s5 =	simm.s32 $0x9E00;
	s6 =	simm.s32 $0x19800;
	[sflag:s11] =	ssyncadd.s32 $0xFFFFFF38  }
0x90: {  	[spmem:s3] =	stream.indirect.scatter.add.f32 [tilespmem:s5], [sflag:$0x6], $0x40, s6, s12, $0xb8;
	[tilespmem:$0x19BE8] =	vst v63  }
0x91: {  	_ =	swait.ge [sflag:s13], $0x3200  }
0x92: {  	[sflag:s13] =	ssyncset.done $0x0  }
0x93: {  	[sflag:s13] =	ssyncadd.s32 $0xFFFFCE00  }
0x94: {  	_ =	swait.ge [sflag:s13], $0xC8  }
0x95: {  	[sflag:s13] =	ssyncset.done $0x0  }
0x96: {  	s7 =	simm.s32 $0xD000;
	s8 =	simm.s32 $0x198C8;
	[sflag:s13] =	ssyncadd.s32 $0xFFFFFF38  }
0x97: {  	[spmem:s3] =	stream.indirect.scatter.add.f32 [tilespmem:s7], [sflag:$0x7], $0x40, s8, s12, $0xb8;
	[tilespmem:$0x19BE8] =	vst v63  }
0x98: {  	_ =	swait.ge [sflag:s14], $0x3200  }
0x99: {  	[sflag:s14] =	ssyncset.done $0x0  }
0x9a: {  	[sflag:s14] =	ssyncadd.s32 $0xFFFFCE00  }
0x9b: {  	_ =	swait.ge [sflag:s14], $0xC8  }
0x9c: {  	[sflag:s14] =	ssyncset.done $0x0  }
0x9d: {  	s9 =	simm.s32 $0x10200;
	s0 =	simm.s32 $0x19990;
	[sflag:s14] =	ssyncadd.s32 $0xFFFFFF38  }
0x9e: {  	[spmem:s3] =	stream.indirect.scatter.add.f32 [tilespmem:s9], [sflag:$0x8], $0x40, s0, s12, $0xb8;
	[tilespmem:$0x19BE8] =	vst v63  }
0x9f: {  	_ =	swait.ge [sflag:s16], $0x3200  }
0xa0: {  	[sflag:s16] =	ssyncset.done $0x0  }
0xa1: {  	[sflag:s16] =	ssyncadd.s32 $0xFFFFCE00  }
0xa2: {  	_ =	swait.ge [sflag:s16], $0xC8  }
0xa3: {  	[sflag:s16] =	ssyncset.done $0x0  }
0xa4: {  	s19 =	simm.s32 $0x13400;
	s20 =	simm.s32 $0x19A58;
	[sflag:s16] =	ssyncadd.s32 $0xFFFFFF38  }
0xa5: {  	[spmem:s3] =	stream.indirect.scatter.add.f32 [tilespmem:s19], [sflag:$0x9], $0x40, s20, s12, $0xb8;
	[tilespmem:$0x19BE8] =	vst v63  }
0xa6: {  	_ =	swait.ge [sflag:s18], $0x3200  }
0xa7: {  	[sflag:s18] =	ssyncset.done $0x0  }
0xa8: {  	[sflag:s18] =	ssyncadd.s32 $0xFFFFCE00  }
0xa9: {  	_ =	swait.ge [sflag:s18], $0xC8  }
0xaa: {  	[sflag:s18] =	ssyncset.done $0x0  }
0xab: {  	s10 =	simm.s32 $0x16600;
	[sflag:s18] =	ssyncadd.s32 $0xFFFFFF38  }
0xac: {  	[spmem:s3] =	stream.indirect.scatter.add.f32 [tilespmem:s10], [sflag:$0xA], $0x40, s2, s12, $0xb8;
	[tilespmem:$0x19BE8] =	vst v63  }
0xad: {  	s2 =	simm.s32 $0x6  }
0xae: {  	_ =	swait.ge [sflag:s2], $0x3200  }
0xaf: {  	[sflag:s2] =	ssyncset.done $0x0  }
0xb0: {  	s31 =	rddreg [dreg:$0x6];
	[sflag:s2] =	ssyncadd.s32 $0xFFFFCE00  }
0xb1: {  	s30 =	sshrl.u32 s25, $0x3;
	s29 =	smov.u32 s24;
	s2 =	rddreg [dreg:$0x0]  }
0xb2: {  	s29 =	sadd.s32 s29, s31;
	s30 =	sadd.s32 s2, s30  }
0xb3: {  	[tilespmem:s5], [sflag:$0x1] =	stream.strided.gather [hbm4b:s30+s26], $0x3200, s28, s26, $0x38;
	[tilespmem:$0x19BE8] =	vst v63  }
0xb4: {  	s31 =	sadd.s32 $0x7D, s29;
	s30 =	simm.s32 $0x7  }
0xb5: {  	[tilespmem:s6], [sflag:$0x1] =	stream.linear.gather [hbm4b:s31+s4], $0xC8, $0x38;
	[tilespmem:$0x19BE8] =	vst v63  }
0xb6: {  	_ =	swait.ge [sflag:s30], $0x3200  }
0xb7: {  	[sflag:s30] =	ssyncset.done $0x0  }
0xb8: {  	[sflag:s30] =	ssyncadd.s32 $0xFFFFCE00  }
0xb9: {  	[tilespmem:s7], [sflag:$0x2] =	stream.strided.gather [hbm4b:s17+s26], $0x3200, s28, s26, $0x38;
	[tilespmem:$0x19BE8] =	vst v63  }
0xba: {  	s31 =	sadd.s32 $0x96, s29;
	s30 =	simm.s32 $0x8  }
0xbb: {  	[tilespmem:s8], [sflag:$0x2] =	stream.linear.gather [hbm4b:s31+s4], $0xC8, $0x38;
	[tilespmem:$0x19BE8] =	vst v63  }
0xbc: {  	_ =	swait.ge [sflag:s30], $0x3200  }
0xbd: {  	[sflag:s30] =	ssyncset.done $0x0  }
0xbe: {  	[sflag:s30] =	ssyncadd.s32 $0xFFFFCE00  }
0xbf: {  	[tilespmem:s9], [sflag:$0x3] =	stream.strided.gather [hbm4b:s15+s26], $0x3200, s28, s26, $0x38;
	[tilespmem:$0x19BE8] =	vst v63  }
0xc0: {  	p1 =	sne.s32 s24, $0x8CA;
	s31 =	sadd.s32 $0xAF, s29  }
0xc1: {  	[tilespmem:s0], [sflag:$0x3] =	stream.linear.gather [hbm4b:s31+s4], $0xC8, $0x38;
	[tilespmem:$0x19BE8] =	vst v63  }
0xc2: {  	s25 =	sadd.s32 $0x1F400, s25;
	s24 =	sadd.s32 $0x7D, s24;
	_ =	swait.ge [sflag:s21], $0x3200  }
0xc3: {  	s2 =	simm.s32 $0x9E00;
	s5 =	simm.s32 $0x19800;
	[sflag:s21] =	ssyncset.done $0x0  }
0xc4: {  	s6 =	simm.s32 $0xD000;
	s7 =	simm.s32 $0x198C8;
	[sflag:s21] =	ssyncadd.s32 $0xFFFFCE00  }
0xc5: {  	[tilespmem:s19], [sflag:$0x4] =	stream.strided.gather [hbm4b:s1+s26], $0x3200, s28, s26, $0x38;
	[tilespmem:$0x19BE8] =	vst v63  }
0xc6: {  	s17 =	sadd.s32 $0x3E80, s17;
	s8 =	simm.s32 $0x10200;
	s31 =	sadd.s32 $0xC8, s29  }
0xc7: {  	[tilespmem:s20], [sflag:$0x4] =	stream.linear.gather [hbm4b:s31+s4], $0xC8, $0x38;
	[tilespmem:$0x19BE8] =	vst v63  }
.Ltmp0:
0xc8: {  	s9 =	simm.s32 $0x19990;
	_ =	swait.ge [sflag:s22], $0x3200;
	(pc) =	sbr.rel @p1 .LBB2_2-.Ltmp0, $4  }
0xc9: {  	s15 =	sadd.s32 $0x3E80, s15;
	s0 =	simm.s32 $0x13400;
	[sflag:s22] =	ssyncset.done $0x0  }
0xca: {  	s29 =	sadd.s32 $0xE1, s29;
	s19 =	simm.s32 $0x19A58;
	[sflag:s22] =	ssyncadd.s32 $0xFFFFCE00  }
0xcb: {  	[tilespmem:s10], [sflag:$0x5] =	stream.strided.gather [hbm4b:s23+s26], $0x3200, s28, s26, $0x38;
	[tilespmem:$0x19BE8] =	vst v63  }
0xcc: {  	s1 =	sadd.s32 $0x3E80, s1;
	s20 =	simm.s32 $0x16600;
	s23 =	sadd.s32 $0x3E80, s23  }
0xcd: {  	s1 =	simm.s32 $0x19B20  }
0xce: {  	[tilespmem:s1], [sflag:$0x5] =	stream.linear.gather [hbm4b:s29+s4], $0xC8, $0x38;
	[tilespmem:$0x19BE8] =	vst v63  }
0xcf: {  	_ =	swait.ge [sflag:s11], $0x3200  }
0xd0: {  	[sflag:s11] =	ssyncset.done $0x0  }
0xd1: {  	[sflag:s11] =	ssyncadd.s32 $0xFFFFCE00  }
0xd2: {  	_ =	swait.ge [sflag:s11], $0xC8  }
0xd3: {  	[sflag:s11] =	ssyncset.done $0x0  }
0xd4: {  	[sflag:s11] =	ssyncadd.s32 $0xFFFFFF38  }
0xd5: {  	[spmem:s3] =	stream.indirect.scatter.add.f32 [tilespmem:s2], [sflag:$0x6], $0x40, s5, s12, $0xb8;
	[tilespmem:$0x19BE8] =	vst v63  }
0xd6: {  	_ =	swait.ge [sflag:s13], $0x3200  }
0xd7: {  	[sflag:s13] =	ssyncset.done $0x0  }
0xd8: {  	[sflag:s13] =	ssyncadd.s32 $0xFFFFCE00  }
0xd9: {  	_ =	swait.ge [sflag:s13], $0xC8  }
0xda: {  	[sflag:s13] =	ssyncset.done $0x0  }
0xdb: {  	[sflag:s13] =	ssyncadd.s32 $0xFFFFFF38  }
0xdc: {  	[spmem:s3] =	stream.indirect.scatter.add.f32 [tilespmem:s6], [sflag:$0x7], $0x40, s7, s12, $0xb8;
	[tilespmem:$0x19BE8] =	vst v63  }
0xdd: {  	_ =	swait.ge [sflag:s14], $0x3200  }
0xde: {  	[sflag:s14] =	ssyncset.done $0x0  }
0xdf: {  	[sflag:s14] =	ssyncadd.s32 $0xFFFFCE00  }
0xe0: {  	_ =	swait.ge [sflag:s14], $0xC8  }
0xe1: {  	[sflag:s14] =	ssyncset.done $0x0  }
0xe2: {  	[sflag:s14] =	ssyncadd.s32 $0xFFFFFF38  }
0xe3: {  	[spmem:s3] =	stream.indirect.scatter.add.f32 [tilespmem:s8], [sflag:$0x8], $0x40, s9, s12, $0xb8;
	[tilespmem:$0x19BE8] =	vst v63  }
0xe4: {  	_ =	swait.ge [sflag:s16], $0x3200  }
0xe5: {  	[sflag:s16] =	ssyncset.done $0x0  }
0xe6: {  	[sflag:s16] =	ssyncadd.s32 $0xFFFFCE00  }
0xe7: {  	_ =	swait.ge [sflag:s16], $0xC8  }
0xe8: {  	[sflag:s16] =	ssyncset.done $0x0  }
0xe9: {  	[sflag:s16] =	ssyncadd.s32 $0xFFFFFF38  }
0xea: {  	[spmem:s3] =	stream.indirect.scatter.add.f32 [tilespmem:s0], [sflag:$0x9], $0x40, s19, s12, $0xb8;
	[tilespmem:$0x19BE8] =	vst v63  }
0xeb: {  	_ =	swait.ge [sflag:s18], $0x3200  }
0xec: {  	[sflag:s18] =	ssyncset.done $0x0  }
0xed: {  	[sflag:s18] =	ssyncadd.s32 $0xFFFFCE00  }
0xee: {  	_ =	swait.ge [sflag:s18], $0xC8  }
0xef: {  	[sflag:s18] =	ssyncset.done $0x0  }
0xf0: {  	s24 =	simm.s32 $0x6;
	[sflag:s18] =	ssyncadd.s32 $0xFFFFFF38  }
0xf1: {  	[spmem:s3] =	stream.indirect.scatter.add.f32 [tilespmem:s20], [sflag:$0xA], $0x40, s1, s12, $0xb8;
	[tilespmem:$0x19BE8] =	vst v63  }
0xf2: {  	_ =	swait.ge [sflag:s24], $0x3200  }
0xf3: {  	[sflag:s24] =	ssyncset.done $0x0  }
0xf4: {  	s25 =	simm.s32 $0x7;
	[sflag:s24] =	ssyncadd.s32 $0xFFFFCE00  }
0xf5: {  	_ =	swait.ge [sflag:s25], $0x3200  }
0xf6: {  	[sflag:s25] =	ssyncset.done $0x0  }
0xf7: {  	s29 =	simm.s32 $0x8;
	[sflag:s25] =	ssyncadd.s32 $0xFFFFCE00  }
0xf8: {  	_ =	swait.ge [sflag:s29], $0x3200  }
0xf9: {  	[sflag:s29] =	ssyncset.done $0x0  }
0xfa: {  	[sflag:s29] =	ssyncadd.s32 $0xFFFFCE00  }
0xfb: {  	_ =	swait.ge [sflag:s21], $0x3200  }
0xfc: {  	[sflag:s21] =	ssyncset.done $0x0  }
0xfd: {  	[sflag:s21] =	ssyncadd.s32 $0xFFFFCE00  }
0xfe: {  	_ =	swait.ge [sflag:s22], $0x3200  }
0xff: {  	[sflag:s22] =	ssyncset.done $0x0  }
0x100: {  	[sflag:s22] =	ssyncadd.s32 $0xFFFFCE00  }
0x101: {  	[bflag:$0x0] =	sbarrier.arrive $0xFFFF  }
0x102: {  	s24 =	rddreg [dreg:$0x11]  }
0x103: {  	s15 =	simm.s32 @p0 $0x1;
	s17 =	simm.s32 @p0 $0x10;
	s25 =	rddreg [dreg:$0x13]  }
0x104: {  	s23 =	simm.s32 @p0 $0x8;
	s29 =	rddreg [dreg:$0x15];
	s1 =	sshrl.u32 @p0 s24, $0x3  }
0x105: {  	[hbm:s29@s17], [sflag:s25] =	dma.strided @p0 [spmem:s1@s23], $0x1040, s15, $0x8   }
0x106: {  	s1 =	simm.s32 @p0 $0xB  }
0x107: {  	s15 =	simm.s32 @!p0 $0x1;
	_ =	swait.ge @p0 [sflag:s1], $0x1040  }
0x108: {  	s17 =	simm.s32 @!p0 $0x10;
	s23 =	simm.s32 @!p0 $0x8;
	[sflag:s1] =	ssyncset.done @p0 $0x0  }
0x109: {  	s29 =	rddreg [dreg:$0x14];
	[sflag:s1] =	ssyncadd.s32 @p0 $0xFFFFEFC0;
	s1 =	sshrl.u32 @!p0 s24, $0x3  }
0x10a: {  	[hbm:s29@s17], [sflag:s25] =	dma.strided @!p0 [spmem:s1@s23], $0x13C0, s15, $0x8   }
0x10b: {  	s1 =	simm.s32 @!p0 $0xB  }
0x10c: {  	_ =	swait.ge @!p0 [sflag:s1], $0x13C0  }
0x10d: {  	s30 =	rddreg [dreg:$0x1c]  }
0x10e: {  	s31 =	rddreg [dreg:$0x16];
	s0 =	sadd.s32 $0x1, s30  }
0x10f: {  	p1 =	sne.s32 s0, s31  }
.Ltmp1:
0x110: {  	_ = 	snop;
	(pc) =	sbr.rel @p1 .LBB2_1-.Ltmp1, $4  }
0x111: {  	_ = 	snop  }
0x112: {  	[sflag:s1] =	ssyncset.done @!p0 $0x0  }
0x113: {  	[sflag:s1] =	ssyncadd.s32 @!p0 $0xFFFFEC40  }
0x114: {  	s17 =	rddreg [dreg:$0x0]  }
0x115: {  	_ =	sfence.sel $0x180000  }
0x116: {  	[bflag:$0x0] =	sbarrier.arrive $0xFFFF  }
0x117: {  	_ =	strace $0x90000047  }
0x118: {  	s0 =	stileid.u32;
	[bflag:$0x2] =	sbarrier.arrive $0xFFFF  }
0x119: {  	p0 =	sne.s32 s0, $0x0;
	s0 =	rddreg [dreg:$0x5]  }
0x11a: {  	s0 =	sadd.s32 @!p0 $0x100000, s0  }
0x11b: {  	[sflag:s0] =	ssyncadd.tile.s32 @!p0 $0x1;
	_ =	shalt  }
.Lfunc_end2:
_tile_overlayer_lowered:
.L_overlay_start_2:
0x11c: {  	(tag) =	ssettag $0x2  }
0x11d: {  	s0 =	rddreg [dreg:$0x0];
	s2 =	stileid.u32  }
0x11e: {  	s1 =	rddreg [dreg:$0x1];
	p0 =	sne.s32 s2, $0x0  }
0x11f: {  	s3 =	rddreg [dreg:$0x2];
	[bflag:$0x3] =	sbarrier.arrive $0xFFFF;
	s2 =	simm.s32 @!p0 $0x1C0B  }
0x120: {  	[timem:s3], [sflag:s2] =	dma.local @!p0 [hbm:s0], s1  }
0x121: {  	s0 =	simm.s32 @!p0 $0xB  }
0x122: {  	_ =	swait.ge @!p0 [sflag:s0], s1  }
0x123: {  	s1 =	ssub.s32 @!p0 $0x0, s1;
	[sflag:s0] =	ssyncset.done @!p0 $0x0  }
0x124: {  	[sflag:s0] =	ssyncadd.s32 @!p0 s1  }
0x125: {  	[bflag:$0x3] =	sbarrier.arrive $0xFFFF  }
0x126: {  	_ =	shalt  }

</sc_bundles>
